<compile_context>
chip_gen: v7x
topology: tpu7x:2x2x1
jax: 0.10.2.dev20260603
libtpu: 0.0.44.dev20260713+nightly
codegen_flags: <defaults>
</compile_context>

<pallas_src>
import functools

import jax
import jax.numpy as jnp
from jax import lax
from jax.experimental import pallas as pl
from jax.experimental.pallas import tpu as pltpu
from jax.experimental.pallas import tpu_sc as plsc

_NC = 2
_NS = 16
_NW = _NC * _NS

_SUB = 125
_CHUNK = _SUB


def _t1_body(h_ref, ws_ref, o_ref):
    h = h_ref[...]
    proj = lax.dot_general(h, ws_ref[...], (((1,), (1,)), ((), ())),
                           preferred_element_type=jnp.float32)
    o_ref[...] = jnp.concatenate([h, proj], axis=1)


def _t23_body(r_ref, wr_ref, bqr_ref, wqr_ref, t2_ref, t3_ref):
    r = r_ref[...]
    p2 = lax.dot_general(r, wr_ref[...], (((1,), (1,)), ((), ())),
                         preferred_element_type=jnp.float32) + bqr_ref[...]
    t2_ref[...] = jnp.concatenate([r, p2], axis=1)
    t3_ref[...] = lax.dot_general(r, wqr_ref[...], (((1,), (1,)), ((), ())),
                                  preferred_element_type=jnp.float32)


def _out_body(p_ref, wh_ref, o_ref):
    p = p_ref[...]
    m = p[0] + p[1]
    o_ref[...] = lax.dot_general(m, wh_ref[...], (((1,), (1,)), ((), ())),
                                 preferred_element_type=jnp.float32)


def _tq_kernel(t3_hbm, qrel_hbm, tq_hbm, idx_v, rows_v, sem):
    c = lax.axis_index("c")
    s = lax.axis_index("s")
    wid = s * _NC + c
    pltpu.sync_copy(qrel_hbm.at[wid], idx_v)
    cps = [pltpu.async_copy(t3_hbm.at[idx_v.at[j]],
                            rows_v.at[pl.ds(j * _SUB, _SUB)], sem)
           for j in range(16)]
    for cp in cps:
        cp.wait()
    pltpu.sync_copy(rows_v, tq_hbm.at[wid])


def _edge_kernel(n_node, n_chunks,
                 t1, t2, tq, sub_h, rel_h, rix_h, obj_h, w_h, zeros_h,
                 out_h,
                 sub_i, rel_i, rix_i, obj_i, sbuf, rbuf, qbuf, msg, wv, acc,
                 sem_i, sem_g):
    c = lax.axis_index("c")
    s = lax.axis_index("s")
    wid = s * _NC + c
    rows_per_tile = n_node // _NS

    pltpu.sync_copy(w_h, wv)
    pltpu.sync_copy(zeros_h.at[pl.ds(s * rows_per_tile, rows_per_tile)],
                    acc.at[pl.ds(s * rows_per_tile, rows_per_tile)])
    plsc.subcore_barrier()

    w0 = wv[pl.ds(0, 16)]
    w1 = wv[pl.ds(16, 16)]
    wb = wv[pl.ds(32, 16)]

    def chunk_body(k, carry):
        ci = wid * n_chunks + k
        cps = [pltpu.async_copy(sub_h.at[ci], sub_i, sem_i),
               pltpu.async_copy(rel_h.at[ci], rel_i, sem_i),
               pltpu.async_copy(rix_h.at[ci], rix_i, sem_i),
               pltpu.async_copy(obj_h.at[ci], obj_i, sem_i)]
        for cp in cps:
            cp.wait()
        gs = [pltpu.async_copy(t1.at[sub_i], sbuf, sem_g),
              pltpu.async_copy(t2.at[rel_i], rbuf, sem_g),
              pltpu.async_copy(tq.at[rix_i], qbuf, sem_g)]
        for g in gs:
            g.wait()

        @plsc.parallel_loop(0, _CHUNK, 1, unroll=5)
        def _(e):
            x0 = sbuf[e, pl.ds(32, 16)] + rbuf[e, pl.ds(32, 16)] \
                + qbuf[e, pl.ds(0, 16)]
            x1 = sbuf[e, pl.ds(48, 16)] + rbuf[e, pl.ds(48, 16)] \
                + qbuf[e, pl.ds(16, 16)]
            x0 = jnp.maximum(x0, 0.0)
            x1 = jnp.maximum(x1, 0.0)
            y = x0 * w0 + x1 * w1
            z = jnp.sum(y)
            zv = jnp.broadcast_to(z, (16,)) + wb
            av = 1.0 / (1.0 + jnp.exp(-zv))
            m0 = (sbuf[e, pl.ds(0, 16)] + rbuf[e, pl.ds(0, 16)]) * av
            m1 = (sbuf[e, pl.ds(16, 16)] + rbuf[e, pl.ds(16, 16)]) * av
            msg[e, pl.ds(0, 16)] = m0
            msg[e, pl.ds(16, 16)] = m1

        pltpu.sync_copy(msg, acc.at[obj_i], add=True)
        return carry

    lax.fori_loop(0, n_chunks, chunk_body, 0)
    plsc.subcore_barrier()
    pltpu.sync_copy(acc.at[pl.ds(s * rows_per_tile, rows_per_tile)],
                    out_h.at[c, pl.ds(s * rows_per_tile, rows_per_tile)])


def kernel(q_sub, q_rel, hidden, edges, nodes, old_nodes_new_idx, batchsize,
           rela_embed, Ws, Wr, Wqr, bqr, wa_w, wa_b, Wh):
    n_node, in_dim = hidden.shape
    n_edge = edges.shape[0]
    n_batch = q_rel.shape[0]
    n_rel = rela_embed.shape[0]

    assert in_dim == 32 and n_node % _NS == 0
    assert n_edge % (_NW * _CHUNK) == 0
    n_chunks = n_edge // (_NW * _CHUNK)

    blk = 2000
    rp = ((n_rel + blk - 1) // blk) * blk
    rela_p = jnp.pad(rela_embed, ((0, rp - n_rel), (0, 0)))

    t1 = pl.pallas_call(
        _t1_body,
        grid=(n_node // blk,),
        in_specs=[pl.BlockSpec((blk, in_dim), lambda i: (i, 0)),
                  pl.BlockSpec((in_dim, in_dim), lambda i: (0, 0))],
        out_specs=pl.BlockSpec((blk, 2 * in_dim), lambda i: (i, 0)),
        out_shape=jax.ShapeDtypeStruct((n_node, 2 * in_dim), jnp.float32),
    )(hidden, Ws)

    t2, t3 = pl.pallas_call(
        _t23_body,
        grid=(rp // blk,),
        in_specs=[pl.BlockSpec((blk, in_dim), lambda i: (i, 0)),
                  pl.BlockSpec((in_dim, in_dim), lambda i: (0, 0)),
                  pl.BlockSpec((1, in_dim), lambda i: (0, 0)),
                  pl.BlockSpec((in_dim, in_dim), lambda i: (0, 0))],
        out_specs=[pl.BlockSpec((blk, 2 * in_dim), lambda i: (i, 0)),
                   pl.BlockSpec((blk, in_dim), lambda i: (i, 0))],
        out_shape=[jax.ShapeDtypeStruct((rp, 2 * in_dim), jnp.float32),
                   jax.ShapeDtypeStruct((rp, in_dim), jnp.float32)],
    )(rela_p, Wr, bqr.reshape(1, in_dim), Wqr)

    bp = _NW * 16 * _SUB
    qrel_p = jnp.pad(q_rel, (0, bp - n_batch)).reshape(_NW, 16, _SUB)
    mesh = plsc.VectorSubcoreMesh(core_axis_name="c", subcore_axis_name="s")
    sc_params = pltpu.CompilerParams(use_tc_tiling_on_sc=False,
                                     needs_layout_passes=False)
    tq = pl.kernel(
        _tq_kernel,
        out_type=jax.ShapeDtypeStruct((_NW, 16 * _SUB, in_dim), jnp.float32),
        mesh=mesh,
        compiler_params=sc_params,
        scratch_types=[pltpu.VMEM((16, _SUB), jnp.int32),
                       pltpu.VMEM((16 * _SUB, in_dim), jnp.float32),
                       pltpu.SemaphoreType.DMA],
    )(t3, qrel_p)
    tq = tq.reshape(bp, in_dim)

    n_cidx = n_edge // _CHUNK
    sub_h = edges[:, 4].reshape(n_cidx, _SUB)
    rel_h = edges[:, 2].reshape(n_cidx, _SUB)
    rix_h = edges[:, 0].reshape(n_cidx, _SUB)
    obj_h = edges[:, 5].reshape(n_cidx, _SUB)
    wvec = jnp.concatenate([wa_w.reshape(-1),
                            jnp.broadcast_to(wa_b.reshape(-1), (16,))])
    zeros = jnp.zeros((n_node, in_dim), jnp.float32)

    partials = pl.kernel(
        functools.partial(_edge_kernel, n_node, n_chunks),
        out_type=jax.ShapeDtypeStruct((_NC, n_node, in_dim), jnp.float32),
        mesh=mesh,
        compiler_params=sc_params,
        scratch_types=[pltpu.VMEM((_SUB,), jnp.int32),
                       pltpu.VMEM((_SUB,), jnp.int32),
                       pltpu.VMEM((_SUB,), jnp.int32),
                       pltpu.VMEM((_SUB,), jnp.int32),
                       pltpu.VMEM((_CHUNK, 2 * in_dim), jnp.float32),
                       pltpu.VMEM((_CHUNK, 2 * in_dim), jnp.float32),
                       pltpu.VMEM((_CHUNK, in_dim), jnp.float32),
                       pltpu.VMEM((_CHUNK, in_dim), jnp.float32),
                       pltpu.VMEM((48,), jnp.float32),
                       pltpu.VMEM_SHARED((n_node, in_dim), jnp.float32),
                       pltpu.SemaphoreType.DMA,
                       pltpu.SemaphoreType.DMA],
    )(t1, t2, tq, sub_h, rel_h, rix_h, obj_h, wvec, zeros)

    out = pl.pallas_call(
        _out_body,
        grid=(n_node // blk,),
        in_specs=[pl.BlockSpec((_NC, blk, in_dim), lambda i: (0, i, 0)),
                  pl.BlockSpec((in_dim, in_dim), lambda i: (0, 0))],
        out_specs=pl.BlockSpec((blk, in_dim), lambda i: (i, 0)),
        out_shape=jax.ShapeDtypeStruct((n_node, in_dim), jnp.float32),
    )(partials, Wh)
    return out

# --- scband reference (transcript-rebuilt; emitter-appended) ---
"""Pipeline reference for scband-gnnlayer-36661840839017 (READ-ONLY COPY).

The authoritative reference and input builder live on the scoring server;
editing this copy changes nothing except your own understanding.
"""

import jax, jax.numpy as jnp
import numpy as np

N_NODE = 50000
E = 800000
IN_DIM = 32
ATTN_DIM = 32
OUT_DIM = 32
N_REL = 25000
BATCH = 50000


def setup_inputs(seed: int = 0) -> dict:
    key = jax.random.key(seed)
    ks = jax.random.split(key, 16)
    hidden = jax.random.normal(ks[0], (N_NODE, IN_DIM), dtype=jnp.float32)
    edges = jax.random.randint(ks[1], (E, 6), 0, N_NODE, dtype=jnp.int32)
    q_sub = jax.random.randint(ks[2], (BATCH,), 0, N_NODE, dtype=jnp.int32)
    q_rel = jax.random.randint(ks[3], (BATCH,), 0, N_NODE, dtype=jnp.int32)
    nodes = jax.random.randint(ks[4], (N_NODE, 2), 0, N_NODE, dtype=jnp.int32)
    old_nodes_new_idx = jax.random.randint(ks[5], (N_REL,), 0, N_NODE, dtype=jnp.int32)
    # learned parameters
    rela_embed = jax.random.normal(ks[6], (2 * N_REL + 1, IN_DIM), dtype=jnp.float32) * 0.05
    Ws = jax.random.normal(ks[7], (ATTN_DIM, IN_DIM), dtype=jnp.float32) * 0.05
    Wr = jax.random.normal(ks[8], (ATTN_DIM, IN_DIM), dtype=jnp.float32) * 0.05
    Wqr = jax.random.normal(ks[9], (ATTN_DIM, IN_DIM), dtype=jnp.float32) * 0.05
    bqr = jax.random.normal(ks[10], (ATTN_DIM,), dtype=jnp.float32) * 0.05
    wa_w = jax.random.normal(ks[11], (1, ATTN_DIM), dtype=jnp.float32) * 0.05
    wa_b = jax.random.normal(ks[12], (1,), dtype=jnp.float32) * 0.05
    Wh = jax.random.normal(ks[13], (OUT_DIM, IN_DIM), dtype=jnp.float32) * 0.05
    return {
        "q_sub": q_sub, "q_rel": q_rel, "hidden": hidden, "edges": edges,
        "nodes": nodes, "old_nodes_new_idx": old_nodes_new_idx, "batchsize": BATCH,
        "rela_embed": rela_embed, "Ws": Ws, "Wr": Wr, "Wqr": Wqr, "bqr": bqr,
        "wa_w": wa_w, "wa_b": wa_b, "Wh": Wh,
    }


def reference(q_sub, q_rel, hidden, edges, nodes, old_nodes_new_idx, batchsize,
              rela_embed, Ws, Wr, Wqr, bqr, wa_w, wa_b, Wh):
    # n_node_topk=-1, n_edge_topk=-1 path of GNNLayer.forward
    sub = edges[:, 4]
    rel = edges[:, 2]
    obj = edges[:, 5]
    r_idx = edges[:, 0]

    hs = jnp.take(hidden, sub, axis=0)                  # gather [E, in_dim]
    hr = jnp.take(rela_embed, rel, axis=0)              # embedding gather [E, in_dim]
    h_q = jnp.take(rela_embed, q_rel, axis=0)           # [B, in_dim]
    h_qr = jnp.take(h_q, r_idx, axis=0)                 # [E, in_dim]

    message = hs + hr
    attn_pre = jax.nn.relu(hs @ Ws.T + hr @ Wr.T + (h_qr @ Wqr.T + bqr))
    alpha = jax.nn.sigmoid(attn_pre @ wa_w.T + wa_b)    # [E, 1]
    message = alpha * message

    n_node = nodes.shape[0]
    message_agg = jax.ops.segment_sum(message, obj, num_segments=n_node)  # scatter-add
    hidden_new = message_agg @ Wh.T                     # act = identity
    return hidden_new

if __name__ == "__main__":
    import jax
    _d = setup_inputs()
    print(jax.jit(kernel)(*tuple(_d.values())))

</pallas_src>

<mosaic_0001>
#map = affine_map<(d0, d1) -> (0, 0)>
#map1 = affine_map<(d0, d1) -> (0, 0, 0)>
module attributes {stable_mosaic.version = 14 : i64} {
  func.func @_tq_kernel(%arg0: i32, %arg1: i32, %arg2: memref<52000x32xf32, #tpu.memory_space<hbm>>, %arg3: memref<32x16x125xi32, #tpu.memory_space<hbm>>, %arg4: memref<32x2000x32xf32, #tpu.memory_space<hbm>>, %arg5: memref<16x125xi32, #tpu.memory_space<vmem>>, %arg6: memref<2000x32xf32, #tpu.memory_space<vmem>>, %arg7: memref<!tpu.dma_semaphore, #tpu.memory_space<semaphore_mem>>) attributes {dimension_semantics = [#tpu.dimension_semantics<core_parallel>, #tpu.dimension_semantics<subcore_parallel>], iteration_bounds = array<i64: 2, 16>, scalar_prefetch = 0 : i64, scratch_operands = 3 : i64, tpu.core_type = #tpu.core_type<sc_vector_subcore>, window_params = [{transform_indices = #map}, {transform_indices = #map1}, {transform_indices = #map1}]} {
    %mul3A = arith.constant 2 : i32
    %mul3A_0 = arith.muli %arg1, %mul3A : i32
    %add3A = arith.addi %mul3A_0, %arg0 : i32
    "tpu.region"() ({
      %run_scoped3A = tpu.sem_alloc : memref<!tpu.dma_semaphore, #tpu.memory_space<semaphore_mem>>
      %dma_start3A_319 = arith.constant 0 : i32
      %dma_start3A_320 = arith.constant 0 : i32
      %dma_start3A_321 = tpu.memref_slice %arg3[%add3A, %dma_start3A_319, %dma_start3A_320] : memref<32x16x125xi32, #tpu.memory_space<hbm>> -> memref<1x16x125xi32, #tpu.memory_space<hbm>>
      %dma_start3A_322 = tpu.memref_squeeze %dma_start3A_321 : memref<1x16x125xi32, #tpu.memory_space<hbm>> -> memref<16x125xi32, #tpu.memory_space<hbm>>
      %dma_start3A_323 = arith.constant 0 : i32
      %dma_start3A_324 = arith.constant 0 : i32
      %dma_start3A_325 = tpu.memref_slice %arg3[%add3A, %dma_start3A_323, %dma_start3A_324] : memref<32x16x125xi32, #tpu.memory_space<hbm>> -> memref<1x16x125xi32, #tpu.memory_space<hbm>>
      %dma_start3A_326 = tpu.memref_squeeze %dma_start3A_325 : memref<1x16x125xi32, #tpu.memory_space<hbm>> -> memref<16x125xi32, #tpu.memory_space<hbm>>
      tpu.enqueue_dma source(%dma_start3A_326 : memref<16x125xi32, #tpu.memory_space<hbm>>) target(%arg5 : memref<16x125xi32, #tpu.memory_space<vmem>>) target_semaphore(%run_scoped3A : memref<!tpu.dma_semaphore, #tpu.memory_space<semaphore_mem>>)
      %dma_wait3A_327 = arith.constant 0 : i32
      %dma_wait3A_328 = arith.constant 0 : i32
      %dma_wait3A_329 = tpu.memref_slice %arg3[%add3A, %dma_wait3A_327, %dma_wait3A_328] : memref<32x16x125xi32, #tpu.memory_space<hbm>> -> memref<1x16x125xi32, #tpu.memory_space<hbm>>
      %dma_wait3A_330 = tpu.memref_squeeze %dma_wait3A_329 : memref<1x16x125xi32, #tpu.memory_space<hbm>> -> memref<16x125xi32, #tpu.memory_space<hbm>>
      %dma_wait3A_331 = arith.constant 0 : i32
      %dma_wait3A_332 = arith.constant 0 : i32
      %dma_wait3A_333 = tpu.memref_slice %arg3[%add3A, %dma_wait3A_331, %dma_wait3A_332] : memref<32x16x125xi32, #tpu.memory_space<hbm>> -> memref<1x16x125xi32, #tpu.memory_space<hbm>>
      %dma_wait3A_334 = tpu.memref_squeeze %dma_wait3A_333 : memref<1x16x125xi32, #tpu.memory_space<hbm>> -> memref<16x125xi32, #tpu.memory_space<hbm>>
      tpu.wait_dma2 semaphore(%run_scoped3A : memref<!tpu.dma_semaphore, #tpu.memory_space<semaphore_mem>>) src(%dma_wait3A_334 : memref<16x125xi32, #tpu.memory_space<hbm>>) dst(%arg5 : memref<16x125xi32, #tpu.memory_space<vmem>>)
      tpu.yield
    }) : () -> ()
    %dma_start3A = arith.constant 0 : i32
    %dma_start3A_1 = arith.constant 0 : i32
    %dma_start3A_2 = arith.constant 0 : i32
    %dma_start3A_3 = tpu.memref_slice %arg6[%dma_start3A_1, %dma_start3A_2] : memref<2000x32xf32, #tpu.memory_space<vmem>> -> memref<125x32xf32, #tpu.memory_space<vmem>>
    %dma_start3A_4 = arith.constant 0 : i32
    %dma_start3A_5 = tpu.memref_slice %arg5[%dma_start3A, %dma_start3A_4] : memref<16x125xi32, #tpu.memory_space<vmem>> -> memref<1x125xi32, #tpu.memory_space<vmem>>
    %dma_start3A_6 = tpu.memref_squeeze %dma_start3A_5 : memref<1x125xi32, #tpu.memory_space<vmem>> -> memref<125xi32, #tpu.memory_space<vmem>>
    %dma_start3A_7 = arith.constant 0 : i32
    %dma_start3A_8 = arith.constant 0 : i32
    %dma_start3A_9 = tpu.memref_slice %arg2[%dma_start3A_7, %dma_start3A_8] : memref<52000x32xf32, #tpu.memory_space<hbm>> -> memref<52000x32xf32, #tpu.memory_space<hbm>>
    tpu.enqueue_indirect_dma source(%dma_start3A_9 : memref<52000x32xf32, #tpu.memory_space<hbm>>) target(%dma_start3A_3 : memref<125x32xf32, #tpu.memory_space<vmem>>) offsets(%dma_start3A_6 : memref<125xi32, #tpu.memory_space<vmem>>) semaphore(%arg7 : memref<!tpu.dma_semaphore, #tpu.memory_space<semaphore_mem>>)
    %dma_start3A_10 = arith.constant 1 : i32
    %dma_start3A_11 = arith.constant 125 : i32
    %dma_start3A_12 = arith.constant 0 : i32
    %dma_start3A_13 = tpu.memref_slice %arg6[%dma_start3A_11, %dma_start3A_12] : memref<2000x32xf32, #tpu.memory_space<vmem>> -> memref<125x32xf32, #tpu.memory_space<vmem>>
    %dma_start3A_14 = arith.constant 0 : i32
    %dma_start3A_15 = tpu.memref_slice %arg5[%dma_start3A_10, %dma_start3A_14] : memref<16x125xi32, #tpu.memory_space<vmem>> -> memref<1x125xi32, #tpu.memory_space<vmem>>
    %dma_start3A_16 = tpu.memref_squeeze %dma_start3A_15 : memref<1x125xi32, #tpu.memory_space<vmem>> -> memref<125xi32, #tpu.memory_space<vmem>>
    %dma_start3A_17 = arith.constant 0 : i32
    %dma_start3A_18 = arith.constant 0 : i32
    %dma_start3A_19 = tpu.memref_slice %arg2[%dma_start3A_17, %dma_start3A_18] : memref<52000x32xf32, #tpu.memory_space<hbm>> -> memref<52000x32xf32, #tpu.memory_space<hbm>>
    tpu.enqueue_indirect_dma source(%dma_start3A_19 : memref<52000x32xf32, #tpu.memory_space<hbm>>) target(%dma_start3A_13 : memref<125x32xf32, #tpu.memory_space<vmem>>) offsets(%dma_start3A_16 : memref<125xi32, #tpu.memory_space<vmem>>) semaphore(%arg7 : memref<!tpu.dma_semaphore, #tpu.memory_space<semaphore_mem>>)
    %dma_start3A_20 = arith.constant 2 : i32
    %dma_start3A_21 = arith.constant 250 : i32
    %dma_start3A_22 = arith.constant 0 : i32
    %dma_start3A_23 = tpu.memref_slice %arg6[%dma_start3A_21, %dma_start3A_22] : memref<2000x32xf32, #tpu.memory_space<vmem>> -> memref<125x32xf32, #tpu.memory_space<vmem>>
    %dma_start3A_24 = arith.constant 0 : i32
    %dma_start3A_25 = tpu.memref_slice %arg5[%dma_start3A_20, %dma_start3A_24] : memref<16x125xi32, #tpu.memory_space<vmem>> -> memref<1x125xi32, #tpu.memory_space<vmem>>
    %dma_start3A_26 = tpu.memref_squeeze %dma_start3A_25 : memref<1x125xi32, #tpu.memory_space<vmem>> -> memref<125xi32, #tpu.memory_space<vmem>>
    %dma_start3A_27 = arith.constant 0 : i32
    %dma_start3A_28 = arith.constant 0 : i32
    %dma_start3A_29 = tpu.memref_slice %arg2[%dma_start3A_27, %dma_start3A_28] : memref<52000x32xf32, #tpu.memory_space<hbm>> -> memref<52000x32xf32, #tpu.memory_space<hbm>>
    tpu.enqueue_indirect_dma source(%dma_start3A_29 : memref<52000x32xf32, #tpu.memory_space<hbm>>) target(%dma_start3A_23 : memref<125x32xf32, #tpu.memory_space<vmem>>) offsets(%dma_start3A_26 : memref<125xi32, #tpu.memory_space<vmem>>) semaphore(%arg7 : memref<!tpu.dma_semaphore, #tpu.memory_space<semaphore_mem>>)
    %dma_start3A_30 = arith.constant 3 : i32
    %dma_start3A_31 = arith.constant 375 : i32
    %dma_start3A_32 = arith.constant 0 : i32
    %dma_start3A_33 = tpu.memref_slice %arg6[%dma_start3A_31, %dma_start3A_32] : memref<2000x32xf32, #tpu.memory_space<vmem>> -> memref<125x32xf32, #tpu.memory_space<vmem>>
    %dma_start3A_34 = arith.constant 0 : i32
    %dma_start3A_35 = tpu.memref_slice %arg5[%dma_start3A_30, %dma_start3A_34] : memref<16x125xi32, #tpu.memory_space<vmem>> -> memref<1x125xi32, #tpu.memory_space<vmem>>
    %dma_start3A_36 = tpu.memref_squeeze %dma_start3A_35 : memref<1x125xi32, #tpu.memory_space<vmem>> -> memref<125xi32, #tpu.memory_space<vmem>>
    %dma_start3A_37 = arith.constant 0 : i32
    %dma_start3A_38 = arith.constant 0 : i32
    %dma_start3A_39 = tpu.memref_slice %arg2[%dma_start3A_37, %dma_start3A_38] : memref<52000x32xf32, #tpu.memory_space<hbm>> -> memref<52000x32xf32, #tpu.memory_space<hbm>>
    tpu.enqueue_indirect_dma source(%dma_start3A_39 : memref<52000x32xf32, #tpu.memory_space<hbm>>) target(%dma_start3A_33 : memref<125x32xf32, #tpu.memory_space<vmem>>) offsets(%dma_start3A_36 : memref<125xi32, #tpu.memory_space<vmem>>) semaphore(%arg7 : memref<!tpu.dma_semaphore, #tpu.memory_space<semaphore_mem>>)
    %dma_start3A_40 = arith.constant 4 : i32
    %dma_start3A_41 = arith.constant 500 : i32
    %dma_start3A_42 = arith.constant 0 : i32
    %dma_start3A_43 = tpu.memref_slice %arg6[%dma_start3A_41, %dma_start3A_42] : memref<2000x32xf32, #tpu.memory_space<vmem>> -> memref<125x32xf32, #tpu.memory_space<vmem>>
    %dma_start3A_44 = arith.constant 0 : i32
    %dma_start3A_45 = tpu.memref_slice %arg5[%dma_start3A_40, %dma_start3A_44] : memref<16x125xi32, #tpu.memory_space<vmem>> -> memref<1x125xi32, #tpu.memory_space<vmem>>
    %dma_start3A_46 = tpu.memref_squeeze %dma_start3A_45 : memref<1x125xi32, #tpu.memory_space<vmem>> -> memref<125xi32, #tpu.memory_space<vmem>>
    %dma_start3A_47 = arith.constant 0 : i32
    %dma_start3A_48 = arith.constant 0 : i32
    %dma_start3A_49 = tpu.memref_slice %arg2[%dma_start3A_47, %dma_start3A_48] : memref<52000x32xf32, #tpu.memory_space<hbm>> -> memref<52000x32xf32, #tpu.memory_space<hbm>>
    tpu.enqueue_indirect_dma source(%dma_start3A_49 : memref<52000x32xf32, #tpu.memory_space<hbm>>) target(%dma_start3A_43 : memref<125x32xf32, #tpu.memory_space<vmem>>) offsets(%dma_start3A_46 : memref<125xi32, #tpu.memory_space<vmem>>) semaphore(%arg7 : memref<!tpu.dma_semaphore, #tpu.memory_space<semaphore_mem>>)
    %dma_start3A_50 = arith.constant 5 : i32
    %dma_start3A_51 = arith.constant 625 : i32
    %dma_start3A_52 = arith.constant 0 : i32
    %dma_start3A_53 = tpu.memref_slice %arg6[%dma_start3A_51, %dma_start3A_52] : memref<2000x32xf32, #tpu.memory_space<vmem>> -> memref<125x32xf32, #tpu.memory_space<vmem>>
    %dma_start3A_54 = arith.constant 0 : i32
    %dma_start3A_55 = tpu.memref_slice %arg5[%dma_start3A_50, %dma_start3A_54] : memref<16x125xi32, #tpu.memory_space<vmem>> -> memref<1x125xi32, #tpu.memory_space<vmem>>
    %dma_start3A_56 = tpu.memref_squeeze %dma_start3A_55 : memref<1x125xi32, #tpu.memory_space<vmem>> -> memref<125xi32, #tpu.memory_space<vmem>>
    %dma_start3A_57 = arith.constant 0 : i32
    %dma_start3A_58 = arith.constant 0 : i32
    %dma_start3A_59 = tpu.memref_slice %arg2[%dma_start3A_57, %dma_start3A_58] : memref<52000x32xf32, #tpu.memory_space<hbm>> -> memref<52000x32xf32, #tpu.memory_space<hbm>>
    tpu.enqueue_indirect_dma source(%dma_start3A_59 : memref<52000x32xf32, #tpu.memory_space<hbm>>) target(%dma_start3A_53 : memref<125x32xf32, #tpu.memory_space<vmem>>) offsets(%dma_start3A_56 : memref<125xi32, #tpu.memory_space<vmem>>) semaphore(%arg7 : memref<!tpu.dma_semaphore, #tpu.memory_space<semaphore_mem>>)
    %dma_start3A_60 = arith.constant 6 : i32
    %dma_start3A_61 = arith.constant 750 : i32
    %dma_start3A_62 = arith.constant 0 : i32
    %dma_start3A_63 = tpu.memref_slice %arg6[%dma_start3A_61, %dma_start3A_62] : memref<2000x32xf32, #tpu.memory_space<vmem>> -> memref<125x32xf32, #tpu.memory_space<vmem>>
    %dma_start3A_64 = arith.constant 0 : i32
    %dma_start3A_65 = tpu.memref_slice %arg5[%dma_start3A_60, %dma_start3A_64] : memref<16x125xi32, #tpu.memory_space<vmem>> -> memref<1x125xi32, #tpu.memory_space<vmem>>
    %dma_start3A_66 = tpu.memref_squeeze %dma_start3A_65 : memref<1x125xi32, #tpu.memory_space<vmem>> -> memref<125xi32, #tpu.memory_space<vmem>>
    %dma_start3A_67 = arith.constant 0 : i32
    %dma_start3A_68 = arith.constant 0 : i32
    %dma_start3A_69 = tpu.memref_slice %arg2[%dma_start3A_67, %dma_start3A_68] : memref<52000x32xf32, #tpu.memory_space<hbm>> -> memref<52000x32xf32, #tpu.memory_space<hbm>>
    tpu.enqueue_indirect_dma source(%dma_start3A_69 : memref<52000x32xf32, #tpu.memory_space<hbm>>) target(%dma_start3A_63 : memref<125x32xf32, #tpu.memory_space<vmem>>) offsets(%dma_start3A_66 : memref<125xi32, #tpu.memory_space<vmem>>) semaphore(%arg7 : memref<!tpu.dma_semaphore, #tpu.memory_space<semaphore_mem>>)
    %dma_start3A_70 = arith.constant 7 : i32
    %dma_start3A_71 = arith.constant 875 : i32
    %dma_start3A_72 = arith.constant 0 : i32
    %dma_start3A_73 = tpu.memref_slice %arg6[%dma_start3A_71, %dma_start3A_72] : memref<2000x32xf32, #tpu.memory_space<vmem>> -> memref<125x32xf32, #tpu.memory_space<vmem>>
    %dma_start3A_74 = arith.constant 0 : i32
    %dma_start3A_75 = tpu.memref_slice %arg5[%dma_start3A_70, %dma_start3A_74] : memref<16x125xi32, #tpu.memory_space<vmem>> -> memref<1x125xi32, #tpu.memory_space<vmem>>
    %dma_start3A_76 = tpu.memref_squeeze %dma_start3A_75 : memref<1x125xi32, #tpu.memory_space<vmem>> -> memref<125xi32, #tpu.memory_space<vmem>>
    %dma_start3A_77 = arith.constant 0 : i32
    %dma_start3A_78 = arith.constant 0 : i32
    %dma_start3A_79 = tpu.memref_slice %arg2[%dma_start3A_77, %dma_start3A_78] : memref<52000x32xf32, #tpu.memory_space<hbm>> -> memref<52000x32xf32, #tpu.memory_space<hbm>>
    tpu.enqueue_indirect_dma source(%dma_start3A_79 : memref<52000x32xf32, #tpu.memory_space<hbm>>) target(%dma_start3A_73 : memref<125x32xf32, #tpu.memory_space<vmem>>) offsets(%dma_start3A_76 : memref<125xi32, #tpu.memory_space<vmem>>) semaphore(%arg7 : memref<!tpu.dma_semaphore, #tpu.memory_space<semaphore_mem>>)
    %dma_start3A_80 = arith.constant 8 : i32
    %dma_start3A_81 = arith.constant 1000 : i32
    %dma_start3A_82 = arith.constant 0 : i32
    %dma_start3A_83 = tpu.memref_slice %arg6[%dma_start3A_81, %dma_start3A_82] : memref<2000x32xf32, #tpu.memory_space<vmem>> -> memref<125x32xf32, #tpu.memory_space<vmem>>
    %dma_start3A_84 = arith.constant 0 : i32
    %dma_start3A_85 = tpu.memref_slice %arg5[%dma_start3A_80, %dma_start3A_84] : memref<16x125xi32, #tpu.memory_space<vmem>> -> memref<1x125xi32, #tpu.memory_space<vmem>>
    %dma_start3A_86 = tpu.memref_squeeze %dma_start3A_85 : memref<1x125xi32, #tpu.memory_space<vmem>> -> memref<125xi32, #tpu.memory_space<vmem>>
    %dma_start3A_87 = arith.constant 0 : i32
    %dma_start3A_88 = arith.constant 0 : i32
    %dma_start3A_89 = tpu.memref_slice %arg2[%dma_start3A_87, %dma_start3A_88] : memref<52000x32xf32, #tpu.memory_space<hbm>> -> memref<52000x32xf32, #tpu.memory_space<hbm>>
    tpu.enqueue_indirect_dma source(%dma_start3A_89 : memref<52000x32xf32, #tpu.memory_space<hbm>>) target(%dma_start3A_83 : memref<125x32xf32, #tpu.memory_space<vmem>>) offsets(%dma_start3A_86 : memref<125xi32, #tpu.memory_space<vmem>>) semaphore(%arg7 : memref<!tpu.dma_semaphore, #tpu.memory_space<semaphore_mem>>)
    %dma_start3A_90 = arith.constant 9 : i32
    %dma_start3A_91 = arith.constant 1125 : i32
    %dma_start3A_92 = arith.constant 0 : i32
    %dma_start3A_93 = tpu.memref_slice %arg6[%dma_start3A_91, %dma_start3A_92] : memref<2000x32xf32, #tpu.memory_space<vmem>> -> memref<125x32xf32, #tpu.memory_space<vmem>>
    %dma_start3A_94 = arith.constant 0 : i32
    %dma_start3A_95 = tpu.memref_slice %arg5[%dma_start3A_90, %dma_start3A_94] : memref<16x125xi32, #tpu.memory_space<vmem>> -> memref<1x125xi32, #tpu.memory_space<vmem>>
    %dma_start3A_96 = tpu.memref_squeeze %dma_start3A_95 : memref<1x125xi32, #tpu.memory_space<vmem>> -> memref<125xi32, #tpu.memory_space<vmem>>
    %dma_start3A_97 = arith.constant 0 : i32
    %dma_start3A_98 = arith.constant 0 : i32
    %dma_start3A_99 = tpu.memref_slice %arg2[%dma_start3A_97, %dma_start3A_98] : memref<52000x32xf32, #tpu.memory_space<hbm>> -> memref<52000x32xf32, #tpu.memory_space<hbm>>
    tpu.enqueue_indirect_dma source(%dma_start3A_99 : memref<52000x32xf32, #tpu.memory_space<hbm>>) target(%dma_start3A_93 : memref<125x32xf32, #tpu.memory_space<vmem>>) offsets(%dma_start3A_96 : memref<125xi32, #tpu.memory_space<vmem>>) semaphore(%arg7 : memref<!tpu.dma_semaphore, #tpu.memory_space<semaphore_mem>>)
    %dma_start3A_100 = arith.constant 10 : i32
    %dma_start3A_101 = arith.constant 1250 : i32
    %dma_start3A_102 = arith.constant 0 : i32
    %dma_start3A_103 = tpu.memref_slice %arg6[%dma_start3A_101, %dma_start3A_102] : memref<2000x32xf32, #tpu.memory_space<vmem>> -> memref<125x32xf32, #tpu.memory_space<vmem>>
    %dma_start3A_104 = arith.constant 0 : i32
    %dma_start3A_105 = tpu.memref_slice %arg5[%dma_start3A_100, %dma_start3A_104] : memref<16x125xi32, #tpu.memory_space<vmem>> -> memref<1x125xi32, #tpu.memory_space<vmem>>
    %dma_start3A_106 = tpu.memref_squeeze %dma_start3A_105 : memref<1x125xi32, #tpu.memory_space<vmem>> -> memref<125xi32, #tpu.memory_space<vmem>>
    %dma_start3A_107 = arith.constant 0 : i32
    %dma_start3A_108 = arith.constant 0 : i32
    %dma_start3A_109 = tpu.memref_slice %arg2[%dma_start3A_107, %dma_start3A_108] : memref<52000x32xf32, #tpu.memory_space<hbm>> -> memref<52000x32xf32, #tpu.memory_space<hbm>>
    tpu.enqueue_indirect_dma source(%dma_start3A_109 : memref<52000x32xf32, #tpu.memory_space<hbm>>) target(%dma_start3A_103 : memref<125x32xf32, #tpu.memory_space<vmem>>) offsets(%dma_start3A_106 : memref<125xi32, #tpu.memory_space<vmem>>) semaphore(%arg7 : memref<!tpu.dma_semaphore, #tpu.memory_space<semaphore_mem>>)
    %dma_start3A_110 = arith.constant 11 : i32
    %dma_start3A_111 = arith.constant 1375 : i32
    %dma_start3A_112 = arith.constant 0 : i32
    %dma_start3A_113 = tpu.memref_slice %arg6[%dma_start3A_111, %dma_start3A_112] : memref<2000x32xf32, #tpu.memory_space<vmem>> -> memref<125x32xf32, #tpu.memory_space<vmem>>
    %dma_start3A_114 = arith.constant 0 : i32
    %dma_start3A_115 = tpu.memref_slice %arg5[%dma_start3A_110, %dma_start3A_114] : memref<16x125xi32, #tpu.memory_space<vmem>> -> memref<1x125xi32, #tpu.memory_space<vmem>>
    %dma_start3A_116 = tpu.memref_squeeze %dma_start3A_115 : memref<1x125xi32, #tpu.memory_space<vmem>> -> memref<125xi32, #tpu.memory_space<vmem>>
    %dma_start3A_117 = arith.constant 0 : i32
    %dma_start3A_118 = arith.constant 0 : i32
    %dma_start3A_119 = tpu.memref_slice %arg2[%dma_start3A_117, %dma_start3A_118] : memref<52000x32xf32, #tpu.memory_space<hbm>> -> memref<52000x32xf32, #tpu.memory_space<hbm>>
    tpu.enqueue_indirect_dma source(%dma_start3A_119 : memref<52000x32xf32, #tpu.memory_space<hbm>>) target(%dma_start3A_113 : memref<125x32xf32, #tpu.memory_space<vmem>>) offsets(%dma_start3A_116 : memref<125xi32, #tpu.memory_space<vmem>>) semaphore(%arg7 : memref<!tpu.dma_semaphore, #tpu.memory_space<semaphore_mem>>)
    %dma_start3A_120 = arith.constant 12 : i32
    %dma_start3A_121 = arith.constant 1500 : i32
    %dma_start3A_122 = arith.constant 0 : i32
    %dma_start3A_123 = tpu.memref_slice %arg6[%dma_start3A_121, %dma_start3A_122] : memref<2000x32xf32, #tpu.memory_space<vmem>> -> memref<125x32xf32, #tpu.memory_space<vmem>>
    %dma_start3A_124 = arith.constant 0 : i32
    %dma_start3A_125 = tpu.memref_slice %arg5[%dma_start3A_120, %dma_start3A_124] : memref<16x125xi32, #tpu.memory_space<vmem>> -> memref<1x125xi32, #tpu.memory_space<vmem>>
    %dma_start3A_126 = tpu.memref_squeeze %dma_start3A_125 : memref<1x125xi32, #tpu.memory_space<vmem>> -> memref<125xi32, #tpu.memory_space<vmem>>
    %dma_start3A_127 = arith.constant 0 : i32
    %dma_start3A_128 = arith.constant 0 : i32
    %dma_start3A_129 = tpu.memref_slice %arg2[%dma_start3A_127, %dma_start3A_128] : memref<52000x32xf32, #tpu.memory_space<hbm>> -> memref<52000x32xf32, #tpu.memory_space<hbm>>
    tpu.enqueue_indirect_dma source(%dma_start3A_129 : memref<52000x32xf32, #tpu.memory_space<hbm>>) target(%dma_start3A_123 : memref<125x32xf32, #tpu.memory_space<vmem>>) offsets(%dma_start3A_126 : memref<125xi32, #tpu.memory_space<vmem>>) semaphore(%arg7 : memref<!tpu.dma_semaphore, #tpu.memory_space<semaphore_mem>>)
    %dma_start3A_130 = arith.constant 13 : i32
    %dma_start3A_131 = arith.constant 1625 : i32
    %dma_start3A_132 = arith.constant 0 : i32
    %dma_start3A_133 = tpu.memref_slice %arg6[%dma_start3A_131, %dma_start3A_132] : memref<2000x32xf32, #tpu.memory_space<vmem>> -> memref<125x32xf32, #tpu.memory_space<vmem>>
    %dma_start3A_134 = arith.constant 0 : i32
    %dma_start3A_135 = tpu.memref_slice %arg5[%dma_start3A_130, %dma_start3A_134] : memref<16x125xi32, #tpu.memory_space<vmem>> -> memref<1x125xi32, #tpu.memory_space<vmem>>
    %dma_start3A_136 = tpu.memref_squeeze %dma_start3A_135 : memref<1x125xi32, #tpu.memory_space<vmem>> -> memref<125xi32, #tpu.memory_space<vmem>>
    %dma_start3A_137 = arith.constant 0 : i32
    %dma_start3A_138 = arith.constant 0 : i32
    %dma_start3A_139 = tpu.memref_slice %arg2[%dma_start3A_137, %dma_start3A_138] : memref<52000x32xf32, #tpu.memory_space<hbm>> -> memref<52000x32xf32, #tpu.memory_space<hbm>>
    tpu.enqueue_indirect_dma source(%dma_start3A_139 : memref<52000x32xf32, #tpu.memory_space<hbm>>) target(%dma_start3A_133 : memref<125x32xf32, #tpu.memory_space<vmem>>) offsets(%dma_start3A_136 : memref<125xi32, #tpu.memory_space<vmem>>) semaphore(%arg7 : memref<!tpu.dma_semaphore, #tpu.memory_space<semaphore_mem>>)
    %dma_start3A_140 = arith.constant 14 : i32
    %dma_start3A_141 = arith.constant 1750 : i32
    %dma_start3A_142 = arith.constant 0 : i32
    %dma_start3A_143 = tpu.memref_slice %arg6[%dma_start3A_141, %dma_start3A_142] : memref<2000x32xf32, #tpu.memory_space<vmem>> -> memref<125x32xf32, #tpu.memory_space<vmem>>
    %dma_start3A_144 = arith.constant 0 : i32
    %dma_start3A_145 = tpu.memref_slice %arg5[%dma_start3A_140, %dma_start3A_144] : memref<16x125xi32, #tpu.memory_space<vmem>> -> memref<1x125xi32, #tpu.memory_space<vmem>>
    %dma_start3A_146 = tpu.memref_squeeze %dma_start3A_145 : memref<1x125xi32, #tpu.memory_space<vmem>> -> memref<125xi32, #tpu.memory_space<vmem>>
    %dma_start3A_147 = arith.constant 0 : i32
    %dma_start3A_148 = arith.constant 0 : i32
    %dma_start3A_149 = tpu.memref_slice %arg2[%dma_start3A_147, %dma_start3A_148] : memref<52000x32xf32, #tpu.memory_space<hbm>> -> memref<52000x32xf32, #tpu.memory_space<hbm>>
    tpu.enqueue_indirect_dma source(%dma_start3A_149 : memref<52000x32xf32, #tpu.memory_space<hbm>>) target(%dma_start3A_143 : memref<125x32xf32, #tpu.memory_space<vmem>>) offsets(%dma_start3A_146 : memref<125xi32, #tpu.memory_space<vmem>>) semaphore(%arg7 : memref<!tpu.dma_semaphore, #tpu.memory_space<semaphore_mem>>)
    %dma_start3A_150 = arith.constant 15 : i32
    %dma_start3A_151 = arith.constant 1875 : i32
    %dma_start3A_152 = arith.constant 0 : i32
    %dma_start3A_153 = tpu.memref_slice %arg6[%dma_start3A_151, %dma_start3A_152] : memref<2000x32xf32, #tpu.memory_space<vmem>> -> memref<125x32xf32, #tpu.memory_space<vmem>>
    %dma_start3A_154 = arith.constant 0 : i32
    %dma_start3A_155 = tpu.memref_slice %arg5[%dma_start3A_150, %dma_start3A_154] : memref<16x125xi32, #tpu.memory_space<vmem>> -> memref<1x125xi32, #tpu.memory_space<vmem>>
    %dma_start3A_156 = tpu.memref_squeeze %dma_start3A_155 : memref<1x125xi32, #tpu.memory_space<vmem>> -> memref<125xi32, #tpu.memory_space<vmem>>
    %dma_start3A_157 = arith.constant 0 : i32
    %dma_start3A_158 = arith.constant 0 : i32
    %dma_start3A_159 = tpu.memref_slice %arg2[%dma_start3A_157, %dma_start3A_158] : memref<52000x32xf32, #tpu.memory_space<hbm>> -> memref<52000x32xf32, #tpu.memory_space<hbm>>
    tpu.enqueue_indirect_dma source(%dma_start3A_159 : memref<52000x32xf32, #tpu.memory_space<hbm>>) target(%dma_start3A_153 : memref<125x32xf32, #tpu.memory_space<vmem>>) offsets(%dma_start3A_156 : memref<125xi32, #tpu.memory_space<vmem>>) semaphore(%arg7 : memref<!tpu.dma_semaphore, #tpu.memory_space<semaphore_mem>>)
    %dma_wait3A = arith.constant 0 : i32
    %dma_wait3A_160 = arith.constant 0 : i32
    %dma_wait3A_161 = arith.constant 0 : i32
    %dma_wait3A_162 = tpu.memref_slice %arg6[%dma_wait3A_160, %dma_wait3A_161] : memref<2000x32xf32, #tpu.memory_space<vmem>> -> memref<125x32xf32, #tpu.memory_space<vmem>>
    %dma_wait3A_163 = arith.constant 0 : i32
    %dma_wait3A_164 = tpu.memref_slice %arg5[%dma_wait3A, %dma_wait3A_163] : memref<16x125xi32, #tpu.memory_space<vmem>> -> memref<1x125xi32, #tpu.memory_space<vmem>>
    %dma_wait3A_165 = tpu.memref_squeeze %dma_wait3A_164 : memref<1x125xi32, #tpu.memory_space<vmem>> -> memref<125xi32, #tpu.memory_space<vmem>>
    %dma_wait3A_166 = arith.constant 0 : i32
    %dma_wait3A_167 = arith.constant 0 : i32
    %dma_wait3A_168 = tpu.memref_slice %arg2[%dma_wait3A_166, %dma_wait3A_167] : memref<52000x32xf32, #tpu.memory_space<hbm>> -> memref<52000x32xf32, #tpu.memory_space<hbm>>
    tpu.wait_indirect_dma semaphore(%arg7 : memref<!tpu.dma_semaphore, #tpu.memory_space<semaphore_mem>>) src(%dma_wait3A_168 : memref<52000x32xf32, #tpu.memory_space<hbm>>) dst(%dma_wait3A_162 : memref<125x32xf32, #tpu.memory_space<vmem>>)
    %dma_wait3A_169 = arith.constant 1 : i32
    %dma_wait3A_170 = arith.constant 125 : i32
    %dma_wait3A_171 = arith.constant 0 : i32
    %dma_wait3A_172 = tpu.memref_slice %arg6[%dma_wait3A_170, %dma_wait3A_171] : memref<2000x32xf32, #tpu.memory_space<vmem>> -> memref<125x32xf32, #tpu.memory_space<vmem>>
    %dma_wait3A_173 = arith.constant 0 : i32
    %dma_wait3A_174 = tpu.memref_slice %arg5[%dma_wait3A_169, %dma_wait3A_173] : memref<16x125xi32, #tpu.memory_space<vmem>> -> memref<1x125xi32, #tpu.memory_space<vmem>>
    %dma_wait3A_175 = tpu.memref_squeeze %dma_wait3A_174 : memref<1x125xi32, #tpu.memory_space<vmem>> -> memref<125xi32, #tpu.memory_space<vmem>>
    %dma_wait3A_176 = arith.constant 0 : i32
    %dma_wait3A_177 = arith.constant 0 : i32
    %dma_wait3A_178 = tpu.memref_slice %arg2[%dma_wait3A_176, %dma_wait3A_177] : memref<52000x32xf32, #tpu.memory_space<hbm>> -> memref<52000x32xf32, #tpu.memory_space<hbm>>
    tpu.wait_indirect_dma semaphore(%arg7 : memref<!tpu.dma_semaphore, #tpu.memory_space<semaphore_mem>>) src(%dma_wait3A_178 : memref<52000x32xf32, #tpu.memory_space<hbm>>) dst(%dma_wait3A_172 : memref<125x32xf32, #tpu.memory_space<vmem>>)
    %dma_wait3A_179 = arith.constant 2 : i32
    %dma_wait3A_180 = arith.constant 250 : i32
    %dma_wait3A_181 = arith.constant 0 : i32
    %dma_wait3A_182 = tpu.memref_slice %arg6[%dma_wait3A_180, %dma_wait3A_181] : memref<2000x32xf32, #tpu.memory_space<vmem>> -> memref<125x32xf32, #tpu.memory_space<vmem>>
    %dma_wait3A_183 = arith.constant 0 : i32
    %dma_wait3A_184 = tpu.memref_slice %arg5[%dma_wait3A_179, %dma_wait3A_183] : memref<16x125xi32, #tpu.memory_space<vmem>> -> memref<1x125xi32, #tpu.memory_space<vmem>>
    %dma_wait3A_185 = tpu.memref_squeeze %dma_wait3A_184 : memref<1x125xi32, #tpu.memory_space<vmem>> -> memref<125xi32, #tpu.memory_space<vmem>>
    %dma_wait3A_186 = arith.constant 0 : i32
    %dma_wait3A_187 = arith.constant 0 : i32
    %dma_wait3A_188 = tpu.memref_slice %arg2[%dma_wait3A_186, %dma_wait3A_187] : memref<52000x32xf32, #tpu.memory_space<hbm>> -> memref<52000x32xf32, #tpu.memory_space<hbm>>
    tpu.wait_indirect_dma semaphore(%arg7 : memref<!tpu.dma_semaphore, #tpu.memory_space<semaphore_mem>>) src(%dma_wait3A_188 : memref<52000x32xf32, #tpu.memory_space<hbm>>) dst(%dma_wait3A_182 : memref<125x32xf32, #tpu.memory_space<vmem>>)
    %dma_wait3A_189 = arith.constant 3 : i32
    %dma_wait3A_190 = arith.constant 375 : i32
    %dma_wait3A_191 = arith.constant 0 : i32
    %dma_wait3A_192 = tpu.memref_slice %arg6[%dma_wait3A_190, %dma_wait3A_191] : memref<2000x32xf32, #tpu.memory_space<vmem>> -> memref<125x32xf32, #tpu.memory_space<vmem>>
    %dma_wait3A_193 = arith.constant 0 : i32
    %dma_wait3A_194 = tpu.memref_slice %arg5[%dma_wait3A_189, %dma_wait3A_193] : memref<16x125xi32, #tpu.memory_space<vmem>> -> memref<1x125xi32, #tpu.memory_space<vmem>>
    %dma_wait3A_195 = tpu.memref_squeeze %dma_wait3A_194 : memref<1x125xi32, #tpu.memory_space<vmem>> -> memref<125xi32, #tpu.memory_space<vmem>>
    %dma_wait3A_196 = arith.constant 0 : i32
    %dma_wait3A_197 = arith.constant 0 : i32
    %dma_wait3A_198 = tpu.memref_slice %arg2[%dma_wait3A_196, %dma_wait3A_197] : memref<52000x32xf32, #tpu.memory_space<hbm>> -> memref<52000x32xf32, #tpu.memory_space<hbm>>
    tpu.wait_indirect_dma semaphore(%arg7 : memref<!tpu.dma_semaphore, #tpu.memory_space<semaphore_mem>>) src(%dma_wait3A_198 : memref<52000x32xf32, #tpu.memory_space<hbm>>) dst(%dma_wait3A_192 : memref<125x32xf32, #tpu.memory_space<vmem>>)
    %dma_wait3A_199 = arith.constant 4 : i32
    %dma_wait3A_200 = arith.constant 500 : i32
    %dma_wait3A_201 = arith.constant 0 : i32
    %dma_wait3A_202 = tpu.memref_slice %arg6[%dma_wait3A_200, %dma_wait3A_201] : memref<2000x32xf32, #tpu.memory_space<vmem>> -> memref<125x32xf32, #tpu.memory_space<vmem>>
    %dma_wait3A_203 = arith.constant 0 : i32
    %dma_wait3A_204 = tpu.memref_slice %arg5[%dma_wait3A_199, %dma_wait3A_203] : memref<16x125xi32, #tpu.memory_space<vmem>> -> memref<1x125xi32, #tpu.memory_space<vmem>>
    %dma_wait3A_205 = tpu.memref_squeeze %dma_wait3A_204 : memref<1x125xi32, #tpu.memory_space<vmem>> -> memref<125xi32, #tpu.memory_space<vmem>>
    %dma_wait3A_206 = arith.constant 0 : i32
    %dma_wait3A_207 = arith.constant 0 : i32
    %dma_wait3A_208 = tpu.memref_slice %arg2[%dma_wait3A_206, %dma_wait3A_207] : memref<52000x32xf32, #tpu.memory_space<hbm>> -> memref<52000x32xf32, #tpu.memory_space<hbm>>
    tpu.wait_indirect_dma semaphore(%arg7 : memref<!tpu.dma_semaphore, #tpu.memory_space<semaphore_mem>>) src(%dma_wait3A_208 : memref<52000x32xf32, #tpu.memory_space<hbm>>) dst(%dma_wait3A_202 : memref<125x32xf32, #tpu.memory_space<vmem>>)
    %dma_wait3A_209 = arith.constant 5 : i32
    %dma_wait3A_210 = arith.constant 625 : i32
    %dma_wait3A_211 = arith.constant 0 : i32
    %dma_wait3A_212 = tpu.memref_slice %arg6[%dma_wait3A_210, %dma_wait3A_211] : memref<2000x32xf32, #tpu.memory_space<vmem>> -> memref<125x32xf32, #tpu.memory_space<vmem>>
    %dma_wait3A_213 = arith.constant 0 : i32
    %dma_wait3A_214 = tpu.memref_slice %arg5[%dma_wait3A_209, %dma_wait3A_213] : memref<16x125xi32, #tpu.memory_space<vmem>> -> memref<1x125xi32, #tpu.memory_space<vmem>>
    %dma_wait3A_215 = tpu.memref_squeeze %dma_wait3A_214 : memref<1x125xi32, #tpu.memory_space<vmem>> -> memref<125xi32, #tpu.memory_space<vmem>>
    %dma_wait3A_216 = arith.constant 0 : i32
    %dma_wait3A_217 = arith.constant 0 : i32
    %dma_wait3A_218 = tpu.memref_slice %arg2[%dma_wait3A_216, %dma_wait3A_217] : memref<52000x32xf32, #tpu.memory_space<hbm>> -> memref<52000x32xf32, #tpu.memory_space<hbm>>
    tpu.wait_indirect_dma semaphore(%arg7 : memref<!tpu.dma_semaphore, #tpu.memory_space<semaphore_mem>>) src(%dma_wait3A_218 : memref<52000x32xf32, #tpu.memory_space<hbm>>) dst(%dma_wait3A_212 : memref<125x32xf32, #tpu.memory_space<vmem>>)
    %dma_wait3A_219 = arith.constant 6 : i32
    %dma_wait3A_220 = arith.constant 750 : i32
    %dma_wait3A_221 = arith.constant 0 : i32
    %dma_wait3A_222 = tpu.memref_slice %arg6[%dma_wait3A_220, %dma_wait3A_221] : memref<2000x32xf32, #tpu.memory_space<vmem>> -> memref<125x32xf32, #tpu.memory_space<vmem>>
    %dma_wait3A_223 = arith.constant 0 : i32
    %dma_wait3A_224 = tpu.memref_slice %arg5[%dma_wait3A_219, %dma_wait3A_223] : memref<16x125xi32, #tpu.memory_space<vmem>> -> memref<1x125xi32, #tpu.memory_space<vmem>>
    %dma_wait3A_225 = tpu.memref_squeeze %dma_wait3A_224 : memref<1x125xi32, #tpu.memory_space<vmem>> -> memref<125xi32, #tpu.memory_space<vmem>>
    %dma_wait3A_226 = arith.constant 0 : i32
    %dma_wait3A_227 = arith.constant 0 : i32
    %dma_wait3A_228 = tpu.memref_slice %arg2[%dma_wait3A_226, %dma_wait3A_227] : memref<52000x32xf32, #tpu.memory_space<hbm>> -> memref<52000x32xf32, #tpu.memory_space<hbm>>
    tpu.wait_indirect_dma semaphore(%arg7 : memref<!tpu.dma_semaphore, #tpu.memory_space<semaphore_mem>>) src(%dma_wait3A_228 : memref<52000x32xf32, #tpu.memory_space<hbm>>) dst(%dma_wait3A_222 : memref<125x32xf32, #tpu.memory_space<vmem>>)
    %dma_wait3A_229 = arith.constant 7 : i32
    %dma_wait3A_230 = arith.constant 875 : i32
    %dma_wait3A_231 = arith.constant 0 : i32
    %dma_wait3A_232 = tpu.memref_slice %arg6[%dma_wait3A_230, %dma_wait3A_231] : memref<2000x32xf32, #tpu.memory_space<vmem>> -> memref<125x32xf32, #tpu.memory_space<vmem>>
    %dma_wait3A_233 = arith.constant 0 : i32
    %dma_wait3A_234 = tpu.memref_slice %arg5[%dma_wait3A_229, %dma_wait3A_233] : memref<16x125xi32, #tpu.memory_space<vmem>> -> memref<1x125xi32, #tpu.memory_space<vmem>>
    %dma_wait3A_235 = tpu.memref_squeeze %dma_wait3A_234 : memref<1x125xi32, #tpu.memory_space<vmem>> -> memref<125xi32, #tpu.memory_space<vmem>>
    %dma_wait3A_236 = arith.constant 0 : i32
    %dma_wait3A_237 = arith.constant 0 : i32
    %dma_wait3A_238 = tpu.memref_slice %arg2[%dma_wait3A_236, %dma_wait3A_237] : memref<52000x32xf32, #tpu.memory_space<hbm>> -> memref<52000x32xf32, #tpu.memory_space<hbm>>
    tpu.wait_indirect_dma semaphore(%arg7 : memref<!tpu.dma_semaphore, #tpu.memory_space<semaphore_mem>>) src(%dma_wait3A_238 : memref<52000x32xf32, #tpu.memory_space<hbm>>) dst(%dma_wait3A_232 : memref<125x32xf32, #tpu.memory_space<vmem>>)
    %dma_wait3A_239 = arith.constant 8 : i32
    %dma_wait3A_240 = arith.constant 1000 : i32
    %dma_wait3A_241 = arith.constant 0 : i32
    %dma_wait3A_242 = tpu.memref_slice %arg6[%dma_wait3A_240, %dma_wait3A_241] : memref<2000x32xf32, #tpu.memory_space<vmem>> -> memref<125x32xf32, #tpu.memory_space<vmem>>
    %dma_wait3A_243 = arith.constant 0 : i32
    %dma_wait3A_244 = tpu.memref_slice %arg5[%dma_wait3A_239, %dma_wait3A_243] : memref<16x125xi32, #tpu.memory_space<vmem>> -> memref<1x125xi32, #tpu.memory_space<vmem>>
    %dma_wait3A_245 = tpu.memref_squeeze %dma_wait3A_244 : memref<1x125xi32, #tpu.memory_space<vmem>> -> memref<125xi32, #tpu.memory_space<vmem>>
    %dma_wait3A_246 = arith.constant 0 : i32
    %dma_wait3A_247 = arith.constant 0 : i32
    %dma_wait3A_248 = tpu.memref_slice %arg2[%dma_wait3A_246, %dma_wait3A_247] : memref<52000x32xf32, #tpu.memory_space<hbm>> -> memref<52000x32xf32, #tpu.memory_space<hbm>>
    tpu.wait_indirect_dma semaphore(%arg7 : memref<!tpu.dma_semaphore, #tpu.memory_space<semaphore_mem>>) src(%dma_wait3A_248 : memref<52000x32xf32, #tpu.memory_space<hbm>>) dst(%dma_wait3A_242 : memref<125x32xf32, #tpu.memory_space<vmem>>)
    %dma_wait3A_249 = arith.constant 9 : i32
    %dma_wait3A_250 = arith.constant 1125 : i32
    %dma_wait3A_251 = arith.constant 0 : i32
    %dma_wait3A_252 = tpu.memref_slice %arg6[%dma_wait3A_250, %dma_wait3A_251] : memref<2000x32xf32, #tpu.memory_space<vmem>> -> memref<125x32xf32, #tpu.memory_space<vmem>>
    %dma_wait3A_253 = arith.constant 0 : i32
    %dma_wait3A_254 = tpu.memref_slice %arg5[%dma_wait3A_249, %dma_wait3A_253] : memref<16x125xi32, #tpu.memory_space<vmem>> -> memref<1x125xi32, #tpu.memory_space<vmem>>
    %dma_wait3A_255 = tpu.memref_squeeze %dma_wait3A_254 : memref<1x125xi32, #tpu.memory_space<vmem>> -> memref<125xi32, #tpu.memory_space<vmem>>
    %dma_wait3A_256 = arith.constant 0 : i32
    %dma_wait3A_257 = arith.constant 0 : i32
    %dma_wait3A_258 = tpu.memref_slice %arg2[%dma_wait3A_256, %dma_wait3A_257] : memref<52000x32xf32, #tpu.memory_space<hbm>> -> memref<52000x32xf32, #tpu.memory_space<hbm>>
    tpu.wait_indirect_dma semaphore(%arg7 : memref<!tpu.dma_semaphore, #tpu.memory_space<semaphore_mem>>) src(%dma_wait3A_258 : memref<52000x32xf32, #tpu.memory_space<hbm>>) dst(%dma_wait3A_252 : memref<125x32xf32, #tpu.memory_space<vmem>>)
    %dma_wait3A_259 = arith.constant 10 : i32
    %dma_wait3A_260 = arith.constant 1250 : i32
    %dma_wait3A_261 = arith.constant 0 : i32
    %dma_wait3A_262 = tpu.memref_slice %arg6[%dma_wait3A_260, %dma_wait3A_261] : memref<2000x32xf32, #tpu.memory_space<vmem>> -> memref<125x32xf32, #tpu.memory_space<vmem>>
    %dma_wait3A_263 = arith.constant 0 : i32
    %dma_wait3A_264 = tpu.memref_slice %arg5[%dma_wait3A_259, %dma_wait3A_263] : memref<16x125xi32, #tpu.memory_space<vmem>> -> memref<1x125xi32, #tpu.memory_space<vmem>>
    %dma_wait3A_265 = tpu.memref_squeeze %dma_wait3A_264 : memref<1x125xi32, #tpu.memory_space<vmem>> -> memref<125xi32, #tpu.memory_space<vmem>>
    %dma_wait3A_266 = arith.constant 0 : i32
    %dma_wait3A_267 = arith.constant 0 : i32
    %dma_wait3A_268 = tpu.memref_slice %arg2[%dma_wait3A_266, %dma_wait3A_267] : memref<52000x32xf32, #tpu.memory_space<hbm>> -> memref<52000x32xf32, #tpu.memory_space<hbm>>
    tpu.wait_indirect_dma semaphore(%arg7 : memref<!tpu.dma_semaphore, #tpu.memory_space<semaphore_mem>>) src(%dma_wait3A_268 : memref<52000x32xf32, #tpu.memory_space<hbm>>) dst(%dma_wait3A_262 : memref<125x32xf32, #tpu.memory_space<vmem>>)
    %dma_wait3A_269 = arith.constant 11 : i32
    %dma_wait3A_270 = arith.constant 1375 : i32
    %dma_wait3A_271 = arith.constant 0 : i32
    %dma_wait3A_272 = tpu.memref_slice %arg6[%dma_wait3A_270, %dma_wait3A_271] : memref<2000x32xf32, #tpu.memory_space<vmem>> -> memref<125x32xf32, #tpu.memory_space<vmem>>
    %dma_wait3A_273 = arith.constant 0 : i32
    %dma_wait3A_274 = tpu.memref_slice %arg5[%dma_wait3A_269, %dma_wait3A_273] : memref<16x125xi32, #tpu.memory_space<vmem>> -> memref<1x125xi32, #tpu.memory_space<vmem>>
    %dma_wait3A_275 = tpu.memref_squeeze %dma_wait3A_274 : memref<1x125xi32, #tpu.memory_space<vmem>> -> memref<125xi32, #tpu.memory_space<vmem>>
    %dma_wait3A_276 = arith.constant 0 : i32
    %dma_wait3A_277 = arith.constant 0 : i32
    %dma_wait3A_278 = tpu.memref_slice %arg2[%dma_wait3A_276, %dma_wait3A_277] : memref<52000x32xf32, #tpu.memory_space<hbm>> -> memref<52000x32xf32, #tpu.memory_space<hbm>>
    tpu.wait_indirect_dma semaphore(%arg7 : memref<!tpu.dma_semaphore, #tpu.memory_space<semaphore_mem>>) src(%dma_wait3A_278 : memref<52000x32xf32, #tpu.memory_space<hbm>>) dst(%dma_wait3A_272 : memref<125x32xf32, #tpu.memory_space<vmem>>)
    %dma_wait3A_279 = arith.constant 12 : i32
    %dma_wait3A_280 = arith.constant 1500 : i32
    %dma_wait3A_281 = arith.constant 0 : i32
    %dma_wait3A_282 = tpu.memref_slice %arg6[%dma_wait3A_280, %dma_wait3A_281] : memref<2000x32xf32, #tpu.memory_space<vmem>> -> memref<125x32xf32, #tpu.memory_space<vmem>>
    %dma_wait3A_283 = arith.constant 0 : i32
    %dma_wait3A_284 = tpu.memref_slice %arg5[%dma_wait3A_279, %dma_wait3A_283] : memref<16x125xi32, #tpu.memory_space<vmem>> -> memref<1x125xi32, #tpu.memory_space<vmem>>
    %dma_wait3A_285 = tpu.memref_squeeze %dma_wait3A_284 : memref<1x125xi32, #tpu.memory_space<vmem>> -> memref<125xi32, #tpu.memory_space<vmem>>
    %dma_wait3A_286 = arith.constant 0 : i32
    %dma_wait3A_287 = arith.constant 0 : i32
    %dma_wait3A_288 = tpu.memref_slice %arg2[%dma_wait3A_286, %dma_wait3A_287] : memref<52000x32xf32, #tpu.memory_space<hbm>> -> memref<52000x32xf32, #tpu.memory_space<hbm>>
    tpu.wait_indirect_dma semaphore(%arg7 : memref<!tpu.dma_semaphore, #tpu.memory_space<semaphore_mem>>) src(%dma_wait3A_288 : memref<52000x32xf32, #tpu.memory_space<hbm>>) dst(%dma_wait3A_282 : memref<125x32xf32, #tpu.memory_space<vmem>>)
    %dma_wait3A_289 = arith.constant 13 : i32
    %dma_wait3A_290 = arith.constant 1625 : i32
    %dma_wait3A_291 = arith.constant 0 : i32
    %dma_wait3A_292 = tpu.memref_slice %arg6[%dma_wait3A_290, %dma_wait3A_291] : memref<2000x32xf32, #tpu.memory_space<vmem>> -> memref<125x32xf32, #tpu.memory_space<vmem>>
    %dma_wait3A_293 = arith.constant 0 : i32
    %dma_wait3A_294 = tpu.memref_slice %arg5[%dma_wait3A_289, %dma_wait3A_293] : memref<16x125xi32, #tpu.memory_space<vmem>> -> memref<1x125xi32, #tpu.memory_space<vmem>>
    %dma_wait3A_295 = tpu.memref_squeeze %dma_wait3A_294 : memref<1x125xi32, #tpu.memory_space<vmem>> -> memref<125xi32, #tpu.memory_space<vmem>>
    %dma_wait3A_296 = arith.constant 0 : i32
    %dma_wait3A_297 = arith.constant 0 : i32
    %dma_wait3A_298 = tpu.memref_slice %arg2[%dma_wait3A_296, %dma_wait3A_297] : memref<52000x32xf32, #tpu.memory_space<hbm>> -> memref<52000x32xf32, #tpu.memory_space<hbm>>
    tpu.wait_indirect_dma semaphore(%arg7 : memref<!tpu.dma_semaphore, #tpu.memory_space<semaphore_mem>>) src(%dma_wait3A_298 : memref<52000x32xf32, #tpu.memory_space<hbm>>) dst(%dma_wait3A_292 : memref<125x32xf32, #tpu.memory_space<vmem>>)
    %dma_wait3A_299 = arith.constant 14 : i32
    %dma_wait3A_300 = arith.constant 1750 : i32
    %dma_wait3A_301 = arith.constant 0 : i32
    %dma_wait3A_302 = tpu.memref_slice %arg6[%dma_wait3A_300, %dma_wait3A_301] : memref<2000x32xf32, #tpu.memory_space<vmem>> -> memref<125x32xf32, #tpu.memory_space<vmem>>
    %dma_wait3A_303 = arith.constant 0 : i32
    %dma_wait3A_304 = tpu.memref_slice %arg5[%dma_wait3A_299, %dma_wait3A_303] : memref<16x125xi32, #tpu.memory_space<vmem>> -> memref<1x125xi32, #tpu.memory_space<vmem>>
    %dma_wait3A_305 = tpu.memref_squeeze %dma_wait3A_304 : memref<1x125xi32, #tpu.memory_space<vmem>> -> memref<125xi32, #tpu.memory_space<vmem>>
    %dma_wait3A_306 = arith.constant 0 : i32
    %dma_wait3A_307 = arith.constant 0 : i32
    %dma_wait3A_308 = tpu.memref_slice %arg2[%dma_wait3A_306, %dma_wait3A_307] : memref<52000x32xf32, #tpu.memory_space<hbm>> -> memref<52000x32xf32, #tpu.memory_space<hbm>>
    tpu.wait_indirect_dma semaphore(%arg7 : memref<!tpu.dma_semaphore, #tpu.memory_space<semaphore_mem>>) src(%dma_wait3A_308 : memref<52000x32xf32, #tpu.memory_space<hbm>>) dst(%dma_wait3A_302 : memref<125x32xf32, #tpu.memory_space<vmem>>)
    %dma_wait3A_309 = arith.constant 15 : i32
    %dma_wait3A_310 = arith.constant 1875 : i32
    %dma_wait3A_311 = arith.constant 0 : i32
    %dma_wait3A_312 = tpu.memref_slice %arg6[%dma_wait3A_310, %dma_wait3A_311] : memref<2000x32xf32, #tpu.memory_space<vmem>> -> memref<125x32xf32, #tpu.memory_space<vmem>>
    %dma_wait3A_313 = arith.constant 0 : i32
    %dma_wait3A_314 = tpu.memref_slice %arg5[%dma_wait3A_309, %dma_wait3A_313] : memref<16x125xi32, #tpu.memory_space<vmem>> -> memref<1x125xi32, #tpu.memory_space<vmem>>
    %dma_wait3A_315 = tpu.memref_squeeze %dma_wait3A_314 : memref<1x125xi32, #tpu.memory_space<vmem>> -> memref<125xi32, #tpu.memory_space<vmem>>
    %dma_wait3A_316 = arith.constant 0 : i32
    %dma_wait3A_317 = arith.constant 0 : i32
    %dma_wait3A_318 = tpu.memref_slice %arg2[%dma_wait3A_316, %dma_wait3A_317] : memref<52000x32xf32, #tpu.memory_space<hbm>> -> memref<52000x32xf32, #tpu.memory_space<hbm>>
    tpu.wait_indirect_dma semaphore(%arg7 : memref<!tpu.dma_semaphore, #tpu.memory_space<semaphore_mem>>) src(%dma_wait3A_318 : memref<52000x32xf32, #tpu.memory_space<hbm>>) dst(%dma_wait3A_312 : memref<125x32xf32, #tpu.memory_space<vmem>>)
    "tpu.region"() ({
      %run_scoped3A = tpu.sem_alloc : memref<!tpu.dma_semaphore, #tpu.memory_space<semaphore_mem>>
      %dma_start3A_319 = arith.constant 0 : i32
      %dma_start3A_320 = arith.constant 0 : i32
      %dma_start3A_321 = tpu.memref_slice %arg4[%add3A, %dma_start3A_319, %dma_start3A_320] : memref<32x2000x32xf32, #tpu.memory_space<hbm>> -> memref<1x2000x32xf32, #tpu.memory_space<hbm>>
      %dma_start3A_322 = tpu.memref_squeeze %dma_start3A_321 : memref<1x2000x32xf32, #tpu.memory_space<hbm>> -> memref<2000x32xf32, #tpu.memory_space<hbm>>
      %dma_start3A_323 = arith.constant 0 : i32
      %dma_start3A_324 = arith.constant 0 : i32
      %dma_start3A_325 = tpu.memref_slice %arg4[%add3A, %dma_start3A_323, %dma_start3A_324] : memref<32x2000x32xf32, #tpu.memory_space<hbm>> -> memref<1x2000x32xf32, #tpu.memory_space<hbm>>
      %dma_start3A_326 = tpu.memref_squeeze %dma_start3A_325 : memref<1x2000x32xf32, #tpu.memory_space<hbm>> -> memref<2000x32xf32, #tpu.memory_space<hbm>>
      tpu.enqueue_dma source(%arg6 : memref<2000x32xf32, #tpu.memory_space<vmem>>) target(%dma_start3A_326 : memref<2000x32xf32, #tpu.memory_space<hbm>>) target_semaphore(%run_scoped3A : memref<!tpu.dma_semaphore, #tpu.memory_space<semaphore_mem>>)
      %dma_wait3A_327 = arith.constant 0 : i32
      %dma_wait3A_328 = arith.constant 0 : i32
      %dma_wait3A_329 = tpu.memref_slice %arg4[%add3A, %dma_wait3A_327, %dma_wait3A_328] : memref<32x2000x32xf32, #tpu.memory_space<hbm>> -> memref<1x2000x32xf32, #tpu.memory_space<hbm>>
      %dma_wait3A_330 = tpu.memref_squeeze %dma_wait3A_329 : memref<1x2000x32xf32, #tpu.memory_space<hbm>> -> memref<2000x32xf32, #tpu.memory_space<hbm>>
      %dma_wait3A_331 = arith.constant 0 : i32
      %dma_wait3A_332 = arith.constant 0 : i32
      %dma_wait3A_333 = tpu.memref_slice %arg4[%add3A, %dma_wait3A_331, %dma_wait3A_332] : memref<32x2000x32xf32, #tpu.memory_space<hbm>> -> memref<1x2000x32xf32, #tpu.memory_space<hbm>>
      %dma_wait3A_334 = tpu.memref_squeeze %dma_wait3A_333 : memref<1x2000x32xf32, #tpu.memory_space<hbm>> -> memref<2000x32xf32, #tpu.memory_space<hbm>>
      tpu.wait_dma2 semaphore(%run_scoped3A : memref<!tpu.dma_semaphore, #tpu.memory_space<semaphore_mem>>) src(%arg6 : memref<2000x32xf32, #tpu.memory_space<vmem>>) dst(%dma_wait3A_334 : memref<2000x32xf32, #tpu.memory_space<hbm>>)
      tpu.yield
    }) : () -> ()
    return
  }
}

#map = affine_map<(d0, d1) -> (0, 0)>
#map1 = affine_map<(d0, d1) -> (0)>
#map2 = affine_map<(d0, d1) -> (0, 0, 0)>
module attributes {stable_mosaic.version = 14 : i64} {
  func.func @_edge_kernel(%arg0: i32, %arg1: i32, %arg2: memref<50000x64xf32, #tpu.memory_space<hbm>>, %arg3: memref<52000x64xf32, #tpu.memory_space<hbm>>, %arg4: memref<64000x32xf32, #tpu.memory_space<hbm>>, %arg5: memref<6400x125xi32, #tpu.memory_space<hbm>>, %arg6: memref<6400x125xi32, #tpu.memory_space<hbm>>, %arg7: memref<6400x125xi32, #tpu.memory_space<hbm>>, %arg8: memref<6400x125xi32, #tpu.memory_space<hbm>>, %arg9: memref<48xf32, #tpu.memory_space<hbm>>, %arg10: memref<50000x32xf32, #tpu.memory_space<hbm>>, %arg11: memref<2x50000x32xf32, #tpu.memory_space<hbm>>, %arg12: memref<125xi32, #tpu.memory_space<vmem>>, %arg13: memref<125xi32, #tpu.memory_space<vmem>>, %arg14: memref<125xi32, #tpu.memory_space<vmem>>, %arg15: memref<125xi32, #tpu.memory_space<vmem>>, %arg16: memref<125x64xf32, #tpu.memory_space<vmem>>, %arg17: memref<125x64xf32, #tpu.memory_space<vmem>>, %arg18: memref<125x32xf32, #tpu.memory_space<vmem>>, %arg19: memref<125x32xf32, #tpu.memory_space<vmem>>, %arg20: memref<48xf32, #tpu.memory_space<vmem>>, %arg21: memref<50000x32xf32, #tpu.memory_space<vmem_shared>>, %arg22: memref<!tpu.dma_semaphore, #tpu.memory_space<semaphore_mem>>, %arg23: memref<!tpu.dma_semaphore, #tpu.memory_space<semaphore_mem>>) attributes {dimension_semantics = [#tpu.dimension_semantics<core_parallel>, #tpu.dimension_semantics<subcore_parallel>], iteration_bounds = array<i64: 2, 16>, scalar_prefetch = 0 : i64, scratch_operands = 12 : i64, tpu.core_type = #tpu.core_type<sc_vector_subcore>, window_params = [{transform_indices = #map}, {transform_indices = #map}, {transform_indices = #map}, {transform_indices = #map}, {transform_indices = #map}, {transform_indices = #map}, {transform_indices = #map}, {transform_indices = #map1}, {transform_indices = #map}, {transform_indices = #map2}]} {
    %mul3A = arith.constant 2 : i32
    %mul3A_0 = arith.muli %arg1, %mul3A : i32
    %add3A = arith.addi %mul3A_0, %arg0 : i32
    "tpu.region"() ({
      %run_scoped3A = tpu.sem_alloc : memref<!tpu.dma_semaphore, #tpu.memory_space<semaphore_mem>>
      tpu.enqueue_dma source(%arg9 : memref<48xf32, #tpu.memory_space<hbm>>) target(%arg20 : memref<48xf32, #tpu.memory_space<vmem>>) target_semaphore(%run_scoped3A : memref<!tpu.dma_semaphore, #tpu.memory_space<semaphore_mem>>)
      tpu.wait_dma2 semaphore(%run_scoped3A : memref<!tpu.dma_semaphore, #tpu.memory_space<semaphore_mem>>) src(%arg9 : memref<48xf32, #tpu.memory_space<hbm>>) dst(%arg20 : memref<48xf32, #tpu.memory_space<vmem>>)
      tpu.yield
    }) : () -> ()
    %mul3A_1 = arith.constant 3125 : i32
    %mul3A_2 = arith.muli %arg1, %mul3A_1 : i32
    %mul3A_3 = arith.constant 3125 : i32
    %mul3A_4 = arith.muli %arg1, %mul3A_3 : i32
    "tpu.region"() ({
      %run_scoped3A = tpu.sem_alloc : memref<!tpu.dma_semaphore, #tpu.memory_space<semaphore_mem>>
      %dma_start3A = arith.constant 0 : i32
      %dma_start3A_20 = tpu.memref_slice %arg21[%mul3A_4, %dma_start3A] : memref<50000x32xf32, #tpu.memory_space<vmem_shared>> -> memref<3125x32xf32, #tpu.memory_space<vmem_shared>>
      %dma_start3A_21 = arith.constant 0 : i32
      %dma_start3A_22 = tpu.memref_slice %arg10[%mul3A_2, %dma_start3A_21] : memref<50000x32xf32, #tpu.memory_space<hbm>> -> memref<3125x32xf32, #tpu.memory_space<hbm>>
      tpu.enqueue_dma source(%dma_start3A_22 : memref<3125x32xf32, #tpu.memory_space<hbm>>) target(%dma_start3A_20 : memref<3125x32xf32, #tpu.memory_space<vmem_shared>>) target_semaphore(%run_scoped3A : memref<!tpu.dma_semaphore, #tpu.memory_space<semaphore_mem>>)
      %dma_wait3A = arith.constant 0 : i32
      %dma_wait3A_23 = tpu.memref_slice %arg21[%mul3A_4, %dma_wait3A] : memref<50000x32xf32, #tpu.memory_space<vmem_shared>> -> memref<3125x32xf32, #tpu.memory_space<vmem_shared>>
      %dma_wait3A_24 = arith.constant 0 : i32
      %dma_wait3A_25 = tpu.memref_slice %arg10[%mul3A_2, %dma_wait3A_24] : memref<50000x32xf32, #tpu.memory_space<hbm>> -> memref<3125x32xf32, #tpu.memory_space<hbm>>
      tpu.wait_dma2 semaphore(%run_scoped3A : memref<!tpu.dma_semaphore, #tpu.memory_space<semaphore_mem>>) src(%dma_wait3A_25 : memref<3125x32xf32, #tpu.memory_space<hbm>>) dst(%dma_wait3A_23 : memref<3125x32xf32, #tpu.memory_space<vmem_shared>>)
      tpu.yield
    }) : () -> ()
    %barrier3A = arith.constant 0 : index
    tpu.barrier barrier_id(%barrier3A)
    %get3A = arith.constant 0 : index
    %get3A_5 = tpu.vector_load %arg20[%get3A] {strides = array<i32>} : memref<48xf32, #tpu.memory_space<vmem>>, vector<16xf32>,
    %get3A_6 = arith.constant 16 : index
    %get3A_7 = tpu.vector_load %arg20[%get3A_6] {strides = array<i32>} : memref<48xf32, #tpu.memory_space<vmem>>, vector<16xf32>,
    %get3A_8 = arith.constant 32 : index
    %get3A_9 = tpu.vector_load %arg20[%get3A_8] {strides = array<i32>} : memref<48xf32, #tpu.memory_space<vmem>>, vector<16xf32>,
    %scan3A = arith.constant 0 : i32
    %scan3A_10 = arith.constant 0 : i32
    %scan3A_11 = arith.constant 200 : i32
    %scan3A_12 = arith.addi %scan3A_10, %scan3A_11 : i32
    %scan3A_13 = arith.constant 1 : i32
    scf.for %scan3A_20 = %scan3A_10 to %scan3A_12 step %scan3A_13  : i32 {
      %mul3A_21 = arith.constant 200 : i32
      %mul3A_22 = arith.muli %add3A, %mul3A_21 : i32
      %add3A_23 = arith.addi %mul3A_22, %scan3A_20 : i32
      %dma_start3A = arith.constant 0 : i32
      %dma_start3A_24 = tpu.memref_slice %arg5[%add3A_23, %dma_start3A] : memref<6400x125xi32, #tpu.memory_space<hbm>> -> memref<1x125xi32, #tpu.memory_space<hbm>>
      %dma_start3A_25 = tpu.memref_squeeze %dma_start3A_24 : memref<1x125xi32, #tpu.memory_space<hbm>> -> memref<125xi32, #tpu.memory_space<hbm>>
      %dma_start3A_26 = arith.constant 0 : i32
      %dma_start3A_27 = tpu.memref_slice %arg5[%add3A_23, %dma_start3A_26] : memref<6400x125xi32, #tpu.memory_space<hbm>> -> memref<1x125xi32, #tpu.memory_space<hbm>>
      %dma_start3A_28 = tpu.memref_squeeze %dma_start3A_27 : memref<1x125xi32, #tpu.memory_space<hbm>> -> memref<125xi32, #tpu.memory_space<hbm>>
      tpu.enqueue_dma source(%dma_start3A_28 : memref<125xi32, #tpu.memory_space<hbm>>) target(%arg12 : memref<125xi32, #tpu.memory_space<vmem>>) target_semaphore(%arg22 : memref<!tpu.dma_semaphore, #tpu.memory_space<semaphore_mem>>)
      %dma_start3A_29 = arith.constant 0 : i32
      %dma_start3A_30 = tpu.memref_slice %arg6[%add3A_23, %dma_start3A_29] : memref<6400x125xi32, #tpu.memory_space<hbm>> -> memref<1x125xi32, #tpu.memory_space<hbm>>
      %dma_start3A_31 = tpu.memref_squeeze %dma_start3A_30 : memref<1x125xi32, #tpu.memory_space<hbm>> -> memref<125xi32, #tpu.memory_space<hbm>>
      %dma_start3A_32 = arith.constant 0 : i32
      %dma_start3A_33 = tpu.memref_slice %arg6[%add3A_23, %dma_start3A_32] : memref<6400x125xi32, #tpu.memory_space<hbm>> -> memref<1x125xi32, #tpu.memory_space<hbm>>
      %dma_start3A_34 = tpu.memref_squeeze %dma_start3A_33 : memref<1x125xi32, #tpu.memory_space<hbm>> -> memref<125xi32, #tpu.memory_space<hbm>>
      tpu.enqueue_dma source(%dma_start3A_34 : memref<125xi32, #tpu.memory_space<hbm>>) target(%arg13 : memref<125xi32, #tpu.memory_space<vmem>>) target_semaphore(%arg22 : memref<!tpu.dma_semaphore, #tpu.memory_space<semaphore_mem>>)
      %dma_start3A_35 = arith.constant 0 : i32
      %dma_start3A_36 = tpu.memref_slice %arg7[%add3A_23, %dma_start3A_35] : memref<6400x125xi32, #tpu.memory_space<hbm>> -> memref<1x125xi32, #tpu.memory_space<hbm>>
      %dma_start3A_37 = tpu.memref_squeeze %dma_start3A_36 : memref<1x125xi32, #tpu.memory_space<hbm>> -> memref<125xi32, #tpu.memory_space<hbm>>
      %dma_start3A_38 = arith.constant 0 : i32
      %dma_start3A_39 = tpu.memref_slice %arg7[%add3A_23, %dma_start3A_38] : memref<6400x125xi32, #tpu.memory_space<hbm>> -> memref<1x125xi32, #tpu.memory_space<hbm>>
      %dma_start3A_40 = tpu.memref_squeeze %dma_start3A_39 : memref<1x125xi32, #tpu.memory_space<hbm>> -> memref<125xi32, #tpu.memory_space<hbm>>
      tpu.enqueue_dma source(%dma_start3A_40 : memref<125xi32, #tpu.memory_space<hbm>>) target(%arg14 : memref<125xi32, #tpu.memory_space<vmem>>) target_semaphore(%arg22 : memref<!tpu.dma_semaphore, #tpu.memory_space<semaphore_mem>>)
      %dma_start3A_41 = arith.constant 0 : i32
      %dma_start3A_42 = tpu.memref_slice %arg8[%add3A_23, %dma_start3A_41] : memref<6400x125xi32, #tpu.memory_space<hbm>> -> memref<1x125xi32, #tpu.memory_space<hbm>>
      %dma_start3A_43 = tpu.memref_squeeze %dma_start3A_42 : memref<1x125xi32, #tpu.memory_space<hbm>> -> memref<125xi32, #tpu.memory_space<hbm>>
      %dma_start3A_44 = arith.constant 0 : i32
      %dma_start3A_45 = tpu.memref_slice %arg8[%add3A_23, %dma_start3A_44] : memref<6400x125xi32, #tpu.memory_space<hbm>> -> memref<1x125xi32, #tpu.memory_space<hbm>>
      %dma_start3A_46 = tpu.memref_squeeze %dma_start3A_45 : memref<1x125xi32, #tpu.memory_space<hbm>> -> memref<125xi32, #tpu.memory_space<hbm>>
      tpu.enqueue_dma source(%dma_start3A_46 : memref<125xi32, #tpu.memory_space<hbm>>) target(%arg15 : memref<125xi32, #tpu.memory_space<vmem>>) target_semaphore(%arg22 : memref<!tpu.dma_semaphore, #tpu.memory_space<semaphore_mem>>)
      %dma_wait3A = arith.constant 0 : i32
      %dma_wait3A_47 = tpu.memref_slice %arg5[%add3A_23, %dma_wait3A] : memref<6400x125xi32, #tpu.memory_space<hbm>> -> memref<1x125xi32, #tpu.memory_space<hbm>>
      %dma_wait3A_48 = tpu.memref_squeeze %dma_wait3A_47 : memref<1x125xi32, #tpu.memory_space<hbm>> -> memref<125xi32, #tpu.memory_space<hbm>>
      %dma_wait3A_49 = arith.constant 0 : i32
      %dma_wait3A_50 = tpu.memref_slice %arg5[%add3A_23, %dma_wait3A_49] : memref<6400x125xi32, #tpu.memory_space<hbm>> -> memref<1x125xi32, #tpu.memory_space<hbm>>
      %dma_wait3A_51 = tpu.memref_squeeze %dma_wait3A_50 : memref<1x125xi32, #tpu.memory_space<hbm>> -> memref<125xi32, #tpu.memory_space<hbm>>
      tpu.wait_dma2 semaphore(%arg22 : memref<!tpu.dma_semaphore, #tpu.memory_space<semaphore_mem>>) src(%dma_wait3A_51 : memref<125xi32, #tpu.memory_space<hbm>>) dst(%arg12 : memref<125xi32, #tpu.memory_space<vmem>>)
      %dma_wait3A_52 = arith.constant 0 : i32
      %dma_wait3A_53 = tpu.memref_slice %arg6[%add3A_23, %dma_wait3A_52] : memref<6400x125xi32, #tpu.memory_space<hbm>> -> memref<1x125xi32, #tpu.memory_space<hbm>>
      %dma_wait3A_54 = tpu.memref_squeeze %dma_wait3A_53 : memref<1x125xi32, #tpu.memory_space<hbm>> -> memref<125xi32, #tpu.memory_space<hbm>>
      %dma_wait3A_55 = arith.constant 0 : i32
      %dma_wait3A_56 = tpu.memref_slice %arg6[%add3A_23, %dma_wait3A_55] : memref<6400x125xi32, #tpu.memory_space<hbm>> -> memref<1x125xi32, #tpu.memory_space<hbm>>
      %dma_wait3A_57 = tpu.memref_squeeze %dma_wait3A_56 : memref<1x125xi32, #tpu.memory_space<hbm>> -> memref<125xi32, #tpu.memory_space<hbm>>
      tpu.wait_dma2 semaphore(%arg22 : memref<!tpu.dma_semaphore, #tpu.memory_space<semaphore_mem>>) src(%dma_wait3A_57 : memref<125xi32, #tpu.memory_space<hbm>>) dst(%arg13 : memref<125xi32, #tpu.memory_space<vmem>>)
      %dma_wait3A_58 = arith.constant 0 : i32
      %dma_wait3A_59 = tpu.memref_slice %arg7[%add3A_23, %dma_wait3A_58] : memref<6400x125xi32, #tpu.memory_space<hbm>> -> memref<1x125xi32, #tpu.memory_space<hbm>>
      %dma_wait3A_60 = tpu.memref_squeeze %dma_wait3A_59 : memref<1x125xi32, #tpu.memory_space<hbm>> -> memref<125xi32, #tpu.memory_space<hbm>>
      %dma_wait3A_61 = arith.constant 0 : i32
      %dma_wait3A_62 = tpu.memref_slice %arg7[%add3A_23, %dma_wait3A_61] : memref<6400x125xi32, #tpu.memory_space<hbm>> -> memref<1x125xi32, #tpu.memory_space<hbm>>
      %dma_wait3A_63 = tpu.memref_squeeze %dma_wait3A_62 : memref<1x125xi32, #tpu.memory_space<hbm>> -> memref<125xi32, #tpu.memory_space<hbm>>
      tpu.wait_dma2 semaphore(%arg22 : memref<!tpu.dma_semaphore, #tpu.memory_space<semaphore_mem>>) src(%dma_wait3A_63 : memref<125xi32, #tpu.memory_space<hbm>>) dst(%arg14 : memref<125xi32, #tpu.memory_space<vmem>>)
      %dma_wait3A_64 = arith.constant 0 : i32
      %dma_wait3A_65 = tpu.memref_slice %arg8[%add3A_23, %dma_wait3A_64] : memref<6400x125xi32, #tpu.memory_space<hbm>> -> memref<1x125xi32, #tpu.memory_space<hbm>>
      %dma_wait3A_66 = tpu.memref_squeeze %dma_wait3A_65 : memref<1x125xi32, #tpu.memory_space<hbm>> -> memref<125xi32, #tpu.memory_space<hbm>>
      %dma_wait3A_67 = arith.constant 0 : i32
      %dma_wait3A_68 = tpu.memref_slice %arg8[%add3A_23, %dma_wait3A_67] : memref<6400x125xi32, #tpu.memory_space<hbm>> -> memref<1x125xi32, #tpu.memory_space<hbm>>
      %dma_wait3A_69 = tpu.memref_squeeze %dma_wait3A_68 : memref<1x125xi32, #tpu.memory_space<hbm>> -> memref<125xi32, #tpu.memory_space<hbm>>
      tpu.wait_dma2 semaphore(%arg22 : memref<!tpu.dma_semaphore, #tpu.memory_space<semaphore_mem>>) src(%dma_wait3A_69 : memref<125xi32, #tpu.memory_space<hbm>>) dst(%arg15 : memref<125xi32, #tpu.memory_space<vmem>>)
      %dma_start3A_70 = arith.constant 0 : i32
      %dma_start3A_71 = arith.constant 0 : i32
      %dma_start3A_72 = tpu.memref_slice %arg2[%dma_start3A_70, %dma_start3A_71] : memref<50000x64xf32, #tpu.memory_space<hbm>> -> memref<50000x64xf32, #tpu.memory_space<hbm>>
      tpu.enqueue_indirect_dma source(%dma_start3A_72 : memref<50000x64xf32, #tpu.memory_space<hbm>>) target(%arg16 : memref<125x64xf32, #tpu.memory_space<vmem>>) offsets(%arg12 : memref<125xi32, #tpu.memory_space<vmem>>) semaphore(%arg23 : memref<!tpu.dma_semaphore, #tpu.memory_space<semaphore_mem>>)
      %dma_start3A_73 = arith.constant 0 : i32
      %dma_start3A_74 = arith.constant 0 : i32
      %dma_start3A_75 = tpu.memref_slice %arg3[%dma_start3A_73, %dma_start3A_74] : memref<52000x64xf32, #tpu.memory_space<hbm>> -> memref<52000x64xf32, #tpu.memory_space<hbm>>
      tpu.enqueue_indirect_dma source(%dma_start3A_75 : memref<52000x64xf32, #tpu.memory_space<hbm>>) target(%arg17 : memref<125x64xf32, #tpu.memory_space<vmem>>) offsets(%arg13 : memref<125xi32, #tpu.memory_space<vmem>>) semaphore(%arg23 : memref<!tpu.dma_semaphore, #tpu.memory_space<semaphore_mem>>)
      %dma_start3A_76 = arith.constant 0 : i32
      %dma_start3A_77 = arith.constant 0 : i32
      %dma_start3A_78 = tpu.memref_slice %arg4[%dma_start3A_76, %dma_start3A_77] : memref<64000x32xf32, #tpu.memory_space<hbm>> -> memref<64000x32xf32, #tpu.memory_space<hbm>>
      tpu.enqueue_indirect_dma source(%dma_start3A_78 : memref<64000x32xf32, #tpu.memory_space<hbm>>) target(%arg18 : memref<125x32xf32, #tpu.memory_space<vmem>>) offsets(%arg14 : memref<125xi32, #tpu.memory_space<vmem>>) semaphore(%arg23 : memref<!tpu.dma_semaphore, #tpu.memory_space<semaphore_mem>>)
      %dma_wait3A_79 = arith.constant 0 : i32
      %dma_wait3A_80 = arith.constant 0 : i32
      %dma_wait3A_81 = tpu.memref_slice %arg2[%dma_wait3A_79, %dma_wait3A_80] : memref<50000x64xf32, #tpu.memory_space<hbm>> -> memref<50000x64xf32, #tpu.memory_space<hbm>>
      tpu.wait_indirect_dma semaphore(%arg23 : memref<!tpu.dma_semaphore, #tpu.memory_space<semaphore_mem>>) src(%dma_wait3A_81 : memref<50000x64xf32, #tpu.memory_space<hbm>>) dst(%arg16 : memref<125x64xf32, #tpu.memory_space<vmem>>)
      %dma_wait3A_82 = arith.constant 0 : i32
      %dma_wait3A_83 = arith.constant 0 : i32
      %dma_wait3A_84 = tpu.memref_slice %arg3[%dma_wait3A_82, %dma_wait3A_83] : memref<52000x64xf32, #tpu.memory_space<hbm>> -> memref<52000x64xf32, #tpu.memory_space<hbm>>
      tpu.wait_indirect_dma semaphore(%arg23 : memref<!tpu.dma_semaphore, #tpu.memory_space<semaphore_mem>>) src(%dma_wait3A_84 : memref<52000x64xf32, #tpu.memory_space<hbm>>) dst(%arg17 : memref<125x64xf32, #tpu.memory_space<vmem>>)
      %dma_wait3A_85 = arith.constant 0 : i32
      %dma_wait3A_86 = arith.constant 0 : i32
      %dma_wait3A_87 = tpu.memref_slice %arg4[%dma_wait3A_85, %dma_wait3A_86] : memref<64000x32xf32, #tpu.memory_space<hbm>> -> memref<64000x32xf32, #tpu.memory_space<hbm>>
      tpu.wait_indirect_dma semaphore(%arg23 : memref<!tpu.dma_semaphore, #tpu.memory_space<semaphore_mem>>) src(%dma_wait3A_87 : memref<64000x32xf32, #tpu.memory_space<hbm>>) dst(%arg18 : memref<125x32xf32, #tpu.memory_space<vmem>>)
      %parallel_loop3A = arith.constant 0 : i32
      %parallel_loop3A_88 = arith.constant 125 : i32
      %parallel_loop3A_89 = arith.constant 1 : i32
      scf.for %parallel_loop3A_90 = %parallel_loop3A to %parallel_loop3A_88 step %parallel_loop3A_89  : i32 {
        %parallel_loop3A_91 = arith.index_cast %parallel_loop3A_90 : i32 to index
        %parallel_loop3A_92 = arith.constant 32 : index
        %parallel_loop3A_93 = tpu.vector_load %arg16[%parallel_loop3A_91, %parallel_loop3A_92] {strides = array<i32>} : memref<125x64xf32, #tpu.memory_space<vmem>>, vector<16xf32>,
        %parallel_loop3A_94 = arith.index_cast %parallel_loop3A_90 : i32 to index
        %parallel_loop3A_95 = arith.constant 32 : index
        %parallel_loop3A_96 = tpu.vector_load %arg17[%parallel_loop3A_94, %parallel_loop3A_95] {strides = array<i32>} : memref<125x64xf32, #tpu.memory_space<vmem>>, vector<16xf32>,
        %parallel_loop3A_97 = arith.addf %parallel_loop3A_93, %parallel_loop3A_96 : vector<16xf32>
        %parallel_loop3A_98 = arith.index_cast %parallel_loop3A_90 : i32 to index
        %parallel_loop3A_99 = arith.constant 0 : index
        %parallel_loop3A_100 = tpu.vector_load %arg18[%parallel_loop3A_98, %parallel_loop3A_99] {strides = array<i32>} : memref<125x32xf32, #tpu.memory_space<vmem>>, vector<16xf32>,
        %parallel_loop3A_101 = arith.addf %parallel_loop3A_97, %parallel_loop3A_100 : vector<16xf32>
        %parallel_loop3A_102 = arith.index_cast %parallel_loop3A_90 : i32 to index
        %parallel_loop3A_103 = arith.constant 48 : index
        %parallel_loop3A_104 = tpu.vector_load %arg16[%parallel_loop3A_102, %parallel_loop3A_103] {strides = array<i32>} : memref<125x64xf32, #tpu.memory_space<vmem>>, vector<16xf32>,
        %parallel_loop3A_105 = arith.index_cast %parallel_loop3A_90 : i32 to index
        %parallel_loop3A_106 = arith.constant 48 : index
        %parallel_loop3A_107 = tpu.vector_load %arg17[%parallel_loop3A_105, %parallel_loop3A_106] {strides = array<i32>} : memref<125x64xf32, #tpu.memory_space<vmem>>, vector<16xf32>,
        %parallel_loop3A_108 = arith.addf %parallel_loop3A_104, %parallel_loop3A_107 : vector<16xf32>
        %parallel_loop3A_109 = arith.index_cast %parallel_loop3A_90 : i32 to index
        %parallel_loop3A_110 = arith.constant 16 : index
        %parallel_loop3A_111 = tpu.vector_load %arg18[%parallel_loop3A_109, %parallel_loop3A_110] {strides = array<i32>} : memref<125x32xf32, #tpu.memory_space<vmem>>, vector<16xf32>,
        %parallel_loop3A_112 = arith.addf %parallel_loop3A_108, %parallel_loop3A_111 : vector<16xf32>
        %parallel_loop3A_113 = arith.constant 0.000000e+00 : f32
        %parallel_loop3A_114 = vector.broadcast %parallel_loop3A_113 : f32 to vector<16xf32>
        %parallel_loop3A_115 = arith.maximumf %parallel_loop3A_101, %parallel_loop3A_114 : vector<16xf32>
        %parallel_loop3A_116 = arith.constant 0.000000e+00 : f32
        %parallel_loop3A_117 = vector.broadcast %parallel_loop3A_116 : f32 to vector<16xf32>
        %parallel_loop3A_118 = arith.maximumf %parallel_loop3A_112, %parallel_loop3A_117 : vector<16xf32>
        %parallel_loop3A_119 = arith.mulf %parallel_loop3A_115, %get3A_5 : vector<16xf32>
        %parallel_loop3A_120 = arith.mulf %parallel_loop3A_118, %get3A_7 : vector<16xf32>
        %parallel_loop3A_121 = arith.addf %parallel_loop3A_119, %parallel_loop3A_120 : vector<16xf32>
        %parallel_loop3A_122 = arith.constant true
        %parallel_loop3A_123 = vector.broadcast %parallel_loop3A_122 : i1 to vector<16xi1>
        %parallel_loop3A_124 = tpu.scan <sum>, %parallel_loop3A_121 masked %parallel_loop3A_123 : vector<16xf32>, vector<16xi1> -> vector<16xf32>
        %parallel_loop3A_125 = vector.extract %parallel_loop3A_124[15] : f32 from vector<16xf32>
        %parallel_loop3A_126 = vector.broadcast %parallel_loop3A_125 : f32 to vector<16xf32>
        %parallel_loop3A_127 = arith.addf %parallel_loop3A_126, %get3A_9 : vector<16xf32>
        %parallel_loop3A_128 = arith.constant 0.000000e+00 : f32
        %parallel_loop3A_129 = vector.broadcast %parallel_loop3A_128 : f32 to vector<16xf32>
        %parallel_loop3A_130 = arith.subf %parallel_loop3A_129, %parallel_loop3A_127 : vector<16xf32>
        %parallel_loop3A_131 = math.exp %parallel_loop3A_130 : vector<16xf32>
        %parallel_loop3A_132 = arith.constant 1.000000e+00 : f32
        %parallel_loop3A_133 = vector.broadcast %parallel_loop3A_132 : f32 to vector<16xf32>
        %parallel_loop3A_134 = arith.addf %parallel_loop3A_133, %parallel_loop3A_131 : vector<16xf32>
        %parallel_loop3A_135 = arith.constant 1.000000e+00 : f32
        %parallel_loop3A_136 = vector.broadcast %parallel_loop3A_135 : f32 to vector<16xf32>
        %parallel_loop3A_137 = arith.divf %parallel_loop3A_136, %parallel_loop3A_134 : vector<16xf32>
        %parallel_loop3A_138 = arith.index_cast %parallel_loop3A_90 : i32 to index
        %parallel_loop3A_139 = arith.constant 0 : index
        %parallel_loop3A_140 = tpu.vector_load %arg16[%parallel_loop3A_138, %parallel_loop3A_139] {strides = array<i32>} : memref<125x64xf32, #tpu.memory_space<vmem>>, vector<16xf32>,
        %parallel_loop3A_141 = arith.index_cast %parallel_loop3A_90 : i32 to index
        %parallel_loop3A_142 = arith.constant 0 : index
        %parallel_loop3A_143 = tpu.vector_load %arg17[%parallel_loop3A_141, %parallel_loop3A_142] {strides = array<i32>} : memref<125x64xf32, #tpu.memory_space<vmem>>, vector<16xf32>,
        %parallel_loop3A_144 = arith.addf %parallel_loop3A_140, %parallel_loop3A_143 : vector<16xf32>
        %parallel_loop3A_145 = arith.mulf %parallel_loop3A_144, %parallel_loop3A_137 : vector<16xf32>
        %parallel_loop3A_146 = arith.index_cast %parallel_loop3A_90 : i32 to index
        %parallel_loop3A_147 = arith.constant 16 : index
        %parallel_loop3A_148 = tpu.vector_load %arg16[%parallel_loop3A_146, %parallel_loop3A_147] {strides = array<i32>} : memref<125x64xf32, #tpu.memory_space<vmem>>, vector<16xf32>,
        %parallel_loop3A_149 = arith.index_cast %parallel_loop3A_90 : i32 to index
        %parallel_loop3A_150 = arith.constant 16 : index
        %parallel_loop3A_151 = tpu.vector_load %arg17[%parallel_loop3A_149, %parallel_loop3A_150] {strides = array<i32>} : memref<125x64xf32, #tpu.memory_space<vmem>>, vector<16xf32>,
        %parallel_loop3A_152 = arith.addf %parallel_loop3A_148, %parallel_loop3A_151 : vector<16xf32>
        %parallel_loop3A_153 = arith.mulf %parallel_loop3A_152, %parallel_loop3A_137 : vector<16xf32>
        %parallel_loop3A_154 = arith.index_cast %parallel_loop3A_90 : i32 to index
        %parallel_loop3A_155 = arith.constant 0 : index
        %parallel_loop3A_156 = tpu.vector_load %arg19[%parallel_loop3A_154, %parallel_loop3A_155] {strides = array<i32>} : memref<125x32xf32, #tpu.memory_space<vmem>>, vector<16xf32>,
        tpu.vector_store %arg19[%parallel_loop3A_154, %parallel_loop3A_155], %parallel_loop3A_145 {strides = array<i32>} : memref<125x32xf32, #tpu.memory_space<vmem>>, vector<16xf32>,
        %parallel_loop3A_157 = arith.index_cast %parallel_loop3A_90 : i32 to index
        %parallel_loop3A_158 = arith.constant 16 : index
        %parallel_loop3A_159 = tpu.vector_load %arg19[%parallel_loop3A_157, %parallel_loop3A_158] {strides = array<i32>} : memref<125x32xf32, #tpu.memory_space<vmem>>, vector<16xf32>,
        tpu.vector_store %arg19[%parallel_loop3A_157, %parallel_loop3A_158], %parallel_loop3A_153 {strides = array<i32>} : memref<125x32xf32, #tpu.memory_space<vmem>>, vector<16xf32>,
      } {sc.loop_unroll_factor = 5 : i64, sc.parallel_access}
      "tpu.region"() ({
        %run_scoped3A = tpu.sem_alloc : memref<!tpu.dma_semaphore, #tpu.memory_space<semaphore_mem>>
        %dma_start3A_90 = arith.constant 0 : i32
        %dma_start3A_91 = arith.constant 0 : i32
        %dma_start3A_92 = tpu.memref_slice %arg21[%dma_start3A_90, %dma_start3A_91] : memref<50000x32xf32, #tpu.memory_space<vmem_shared>> -> memref<50000x32xf32, #tpu.memory_space<vmem_shared>>
        tpu.enqueue_indirect_dma source(%arg19 : memref<125x32xf32, #tpu.memory_space<vmem>>) target(%dma_start3A_92 : memref<50000x32xf32, #tpu.memory_space<vmem_shared>>) offsets(%arg15 : memref<125xi32, #tpu.memory_space<vmem>>) semaphore(%run_scoped3A : memref<!tpu.dma_semaphore, #tpu.memory_space<semaphore_mem>>) {add = true}
        %dma_wait3A_93 = arith.constant 0 : i32
        %dma_wait3A_94 = arith.constant 0 : i32
        %dma_wait3A_95 = tpu.memref_slice %arg21[%dma_wait3A_93, %dma_wait3A_94] : memref<50000x32xf32, #tpu.memory_space<vmem_shared>> -> memref<50000x32xf32, #tpu.memory_space<vmem_shared>>
        tpu.wait_indirect_dma semaphore(%run_scoped3A : memref<!tpu.dma_semaphore, #tpu.memory_space<semaphore_mem>>) src(%arg19 : memref<125x32xf32, #tpu.memory_space<vmem>>) dst(%dma_wait3A_95 : memref<50000x32xf32, #tpu.memory_space<vmem_shared>>)
        tpu.yield
      }) : () -> ()
    }
    %scan3A_14 = arith.constant 200 : i32
    %barrier3A_15 = arith.constant 0 : index
    tpu.barrier barrier_id(%barrier3A_15)
    %mul3A_16 = arith.constant 3125 : i32
    %mul3A_17 = arith.muli %arg1, %mul3A_16 : i32
    %mul3A_18 = arith.constant 3125 : i32
    %mul3A_19 = arith.muli %arg1, %mul3A_18 : i32
    "tpu.region"() ({
      %run_scoped3A = tpu.sem_alloc : memref<!tpu.dma_semaphore, #tpu.memory_space<semaphore_mem>>
      %dma_start3A = arith.constant 0 : i32
      %dma_start3A_20 = tpu.memref_slice %arg11[%arg0, %mul3A_19, %dma_start3A] : memref<2x50000x32xf32, #tpu.memory_space<hbm>> -> memref<1x3125x32xf32, #tpu.memory_space<hbm>>
      %dma_start3A_21 = tpu.memref_squeeze %dma_start3A_20 : memref<1x3125x32xf32, #tpu.memory_space<hbm>> -> memref<3125x32xf32, #tpu.memory_space<hbm>>
      %dma_start3A_22 = arith.constant 0 : i32
      %dma_start3A_23 = tpu.memref_slice %arg21[%mul3A_17, %dma_start3A_22] : memref<50000x32xf32, #tpu.memory_space<vmem_shared>> -> memref<3125x32xf32, #tpu.memory_space<vmem_shared>>
      tpu.enqueue_dma source(%dma_start3A_23 : memref<3125x32xf32, #tpu.memory_space<vmem_shared>>) target(%dma_start3A_21 : memref<3125x32xf32, #tpu.memory_space<hbm>>) target_semaphore(%run_scoped3A : memref<!tpu.dma_semaphore, #tpu.memory_space<semaphore_mem>>)
      %dma_wait3A = arith.constant 0 : i32
      %dma_wait3A_24 = tpu.memref_slice %arg11[%arg0, %mul3A_19, %dma_wait3A] : memref<2x50000x32xf32, #tpu.memory_space<hbm>> -> memref<1x3125x32xf32, #tpu.memory_space<hbm>>
      %dma_wait3A_25 = tpu.memref_squeeze %dma_wait3A_24 : memref<1x3125x32xf32, #tpu.memory_space<hbm>> -> memref<3125x32xf32, #tpu.memory_space<hbm>>
      %dma_wait3A_26 = arith.constant 0 : i32
      %dma_wait3A_27 = tpu.memref_slice %arg21[%mul3A_17, %dma_wait3A_26] : memref<50000x32xf32, #tpu.memory_space<vmem_shared>> -> memref<3125x32xf32, #tpu.memory_space<vmem_shared>>
      tpu.wait_dma2 semaphore(%run_scoped3A : memref<!tpu.dma_semaphore, #tpu.memory_space<semaphore_mem>>) src(%dma_wait3A_27 : memref<3125x32xf32, #tpu.memory_space<vmem_shared>>) dst(%dma_wait3A_25 : memref<3125x32xf32, #tpu.memory_space<hbm>>)
      tpu.yield
    }) : () -> ()
    return
  }
}

module attributes {stable_mosaic.version = 14 : i64} {
  func.func @_t23_body(%arg0: i32, %arg1: memref<2000x32xf32, #tpu.memory_space<vmem>>, %arg2: memref<32x32xf32, #tpu.memory_space<vmem>>, %arg3: memref<1x32xf32, #tpu.memory_space<vmem>>, %arg4: memref<32x32xf32, #tpu.memory_space<vmem>>, %arg5: memref<2000x64xf32, #tpu.memory_space<vmem>>, %arg6: memref<2000x32xf32, #tpu.memory_space<vmem>>) attributes {dimension_semantics = [#tpu.dimension_semantics<arbitrary>], iteration_bounds = array<i64: 26>, scalar_prefetch = 0 : i64, scratch_operands = 0 : i64, tpu.core_type = #tpu.core_type<tc>, window_params = [{transform_indices = @transform_0, window_bounds = array<i64: 2000, 32>}, {pipeline_mode = #tpu.pipeline_mode<synchronous>, transform_indices = @transform_1, window_bounds = array<i64: 32, 32>}, {pipeline_mode = #tpu.pipeline_mode<synchronous>, transform_indices = @transform_2, window_bounds = array<i64: 1, 32>}, {pipeline_mode = #tpu.pipeline_mode<synchronous>, transform_indices = @transform_3, window_bounds = array<i64: 32, 32>}, {transform_indices = @transform_4, window_bounds = array<i64: 2000, 64>}, {transform_indices = @transform_5, window_bounds = array<i64: 2000, 32>}]} {
    %get3A = arith.constant 0 : index
    %get3A_0 = arith.constant 0 : index
    %get3A_1 = vector.load %arg1[%get3A, %get3A_0] : memref<2000x32xf32, #tpu.memory_space<vmem>>, vector<2000x32xf32>
    %get3A_2 = arith.constant 0 : index
    %get3A_3 = arith.constant 0 : index
    %get3A_4 = vector.load %arg2[%get3A_2, %get3A_3] : memref<32x32xf32, #tpu.memory_space<vmem>>, vector<32x32xf32>
    %dot_general3A = arith.constant dense<0.000000e+00> : vector<2000x32xf32>
    %dot_general3A_5 = tpu.matmul %get3A_1, %get3A_4, %dot_general3A {dimension_numbers = #tpu.dot_dimension_numbers<[1], [1], [0], [0], [0, 0, 1, 0], [], []>, transpose_lhs_hint = false} : vector<2000x32xf32>, vector<32x32xf32>, vector<2000x32xf32> -> vector<2000x32xf32>
    %get3A_6 = arith.constant 0 : index
    %get3A_7 = arith.constant 0 : index
    %get3A_8 = vector.load %arg3[%get3A_6, %get3A_7] : memref<1x32xf32, #tpu.memory_space<vmem>>, vector<1x32xf32>
    %add3A = vector.broadcast %get3A_8 : vector<1x32xf32> to vector<2000x32xf32>
    %add3A_9 = arith.addf %dot_general3A_5, %add3A : vector<2000x32xf32>
    %concatenate3A = tpu.concatenate %get3A_1, %add3A_9 in 1 : vector<2000x32xf32>, vector<2000x32xf32> -> vector<2000x64xf32>
    %swap3A = arith.constant 0 : index
    %swap3A_10 = arith.constant 0 : index
    %swap3A_11 = vector.load %arg5[%swap3A, %swap3A_10] : memref<2000x64xf32, #tpu.memory_space<vmem>>, vector<2000x64xf32>
    tpu.vector_store %arg5[%swap3A, %swap3A_10], %concatenate3A {strides = array<i32>} : memref<2000x64xf32, #tpu.memory_space<vmem>>, vector<2000x64xf32>,
    %get3A_12 = arith.constant 0 : index
    %get3A_13 = arith.constant 0 : index
    %get3A_14 = vector.load %arg4[%get3A_12, %get3A_13] : memref<32x32xf32, #tpu.memory_space<vmem>>, vector<32x32xf32>
    %dot_general3A_15 = arith.constant dense<0.000000e+00> : vector<2000x32xf32>
    %dot_general3A_16 = tpu.matmul %get3A_1, %get3A_14, %dot_general3A_15 {dimension_numbers = #tpu.dot_dimension_numbers<[1], [1], [0], [0], [0, 0, 1, 0], [], []>, transpose_lhs_hint = false} : vector<2000x32xf32>, vector<32x32xf32>, vector<2000x32xf32> -> vector<2000x32xf32>
    %swap3A_17 = arith.constant 0 : index
    %swap3A_18 = arith.constant 0 : index
    %swap3A_19 = vector.load %arg6[%swap3A_17, %swap3A_18] : memref<2000x32xf32, #tpu.memory_space<vmem>>, vector<2000x32xf32>
    tpu.vector_store %arg6[%swap3A_17, %swap3A_18], %dot_general3A_16 {strides = array<i32>} : memref<2000x32xf32, #tpu.memory_space<vmem>>, vector<2000x32xf32>,
    return
  }
  func.func @transform_0(%arg0: i32) -> (i32, i32) {
    %c0_i32 = arith.constant 0 : i32
    %c0_i32_0 = arith.constant 0 : i32
    return %arg0, %c0_i32 : i32, i32
  }
  func.func @transform_1(%arg0: i32) -> (i32, i32) {
    %c0_i32 = arith.constant 0 : i32
    %c0_i32_0 = arith.constant 0 : i32
    %c0_i32_1 = arith.constant 0 : i32
    return %c0_i32, %c0_i32_0 : i32, i32
  }
  func.func @transform_2(%arg0: i32) -> (i32, i32) {
    %c0_i32 = arith.constant 0 : i32
    %c0_i32_0 = arith.constant 0 : i32
    %c0_i32_1 = arith.constant 0 : i32
    return %c0_i32, %c0_i32_0 : i32, i32
  }
  func.func @transform_3(%arg0: i32) -> (i32, i32) {
    %c0_i32 = arith.constant 0 : i32
    %c0_i32_0 = arith.constant 0 : i32
    %c0_i32_1 = arith.constant 0 : i32
    return %c0_i32, %c0_i32_0 : i32, i32
  }
  func.func @transform_4(%arg0: i32) -> (i32, i32) {
    %c0_i32 = arith.constant 0 : i32
    %c0_i32_0 = arith.constant 0 : i32
    return %arg0, %c0_i32 : i32, i32
  }
  func.func @transform_5(%arg0: i32) -> (i32, i32) {
    %c0_i32 = arith.constant 0 : i32
    %c0_i32_0 = arith.constant 0 : i32
    return %arg0, %c0_i32 : i32, i32
  }
}

module attributes {stable_mosaic.version = 14 : i64} {
  func.func @_t1_body(%arg0: i32, %arg1: memref<2000x32xf32, #tpu.memory_space<vmem>>, %arg2: memref<32x32xf32, #tpu.memory_space<vmem>>, %arg3: memref<2000x64xf32, #tpu.memory_space<vmem>>) attributes {dimension_semantics = [#tpu.dimension_semantics<arbitrary>], iteration_bounds = array<i64: 25>, scalar_prefetch = 0 : i64, scratch_operands = 0 : i64, tpu.core_type = #tpu.core_type<tc>, window_params = [{transform_indices = @transform_0, window_bounds = array<i64: 2000, 32>}, {pipeline_mode = #tpu.pipeline_mode<synchronous>, transform_indices = @transform_1, window_bounds = array<i64: 32, 32>}, {transform_indices = @transform_2, window_bounds = array<i64: 2000, 64>}]} {
    %get3A = arith.constant 0 : index
    %get3A_0 = arith.constant 0 : index
    %get3A_1 = vector.load %arg1[%get3A, %get3A_0] : memref<2000x32xf32, #tpu.memory_space<vmem>>, vector<2000x32xf32>
    %get3A_2 = arith.constant 0 : index
    %get3A_3 = arith.constant 0 : index
    %get3A_4 = vector.load %arg2[%get3A_2, %get3A_3] : memref<32x32xf32, #tpu.memory_space<vmem>>, vector<32x32xf32>
    %dot_general3A = arith.constant dense<0.000000e+00> : vector<2000x32xf32>
    %dot_general3A_5 = tpu.matmul %get3A_1, %get3A_4, %dot_general3A {dimension_numbers = #tpu.dot_dimension_numbers<[1], [1], [0], [0], [0, 0, 1, 0], [], []>, transpose_lhs_hint = false} : vector<2000x32xf32>, vector<32x32xf32>, vector<2000x32xf32> -> vector<2000x32xf32>
    %concatenate3A = tpu.concatenate %get3A_1, %dot_general3A_5 in 1 : vector<2000x32xf32>, vector<2000x32xf32> -> vector<2000x64xf32>
    %swap3A = arith.constant 0 : index
    %swap3A_6 = arith.constant 0 : index
    %swap3A_7 = vector.load %arg3[%swap3A, %swap3A_6] : memref<2000x64xf32, #tpu.memory_space<vmem>>, vector<2000x64xf32>
    tpu.vector_store %arg3[%swap3A, %swap3A_6], %concatenate3A {strides = array<i32>} : memref<2000x64xf32, #tpu.memory_space<vmem>>, vector<2000x64xf32>,
    return
  }
  func.func @transform_0(%arg0: i32) -> (i32, i32) {
    %c0_i32 = arith.constant 0 : i32
    %c0_i32_0 = arith.constant 0 : i32
    return %arg0, %c0_i32 : i32, i32
  }
  func.func @transform_1(%arg0: i32) -> (i32, i32) {
    %c0_i32 = arith.constant 0 : i32
    %c0_i32_0 = arith.constant 0 : i32
    %c0_i32_1 = arith.constant 0 : i32
    return %c0_i32, %c0_i32_0 : i32, i32
  }
  func.func @transform_2(%arg0: i32) -> (i32, i32) {
    %c0_i32 = arith.constant 0 : i32
    %c0_i32_0 = arith.constant 0 : i32
    return %arg0, %c0_i32 : i32, i32
  }
}

module attributes {stable_mosaic.version = 14 : i64} {
  func.func @_out_body(%arg0: i32, %arg1: memref<2x2000x32xf32, #tpu.memory_space<vmem>>, %arg2: memref<32x32xf32, #tpu.memory_space<vmem>>, %arg3: memref<2000x32xf32, #tpu.memory_space<vmem>>) attributes {dimension_semantics = [#tpu.dimension_semantics<arbitrary>], iteration_bounds = array<i64: 25>, scalar_prefetch = 0 : i64, scratch_operands = 0 : i64, tpu.core_type = #tpu.core_type<tc>, window_params = [{transform_indices = @transform_0, window_bounds = array<i64: 2, 2000, 32>}, {pipeline_mode = #tpu.pipeline_mode<synchronous>, transform_indices = @transform_1, window_bounds = array<i64: 32, 32>}, {transform_indices = @transform_2, window_bounds = array<i64: 2000, 32>}]} {
    %get3A = arith.constant 0 : index
    %get3A_0 = arith.constant 0 : index
    %get3A_1 = arith.constant 0 : index
    %get3A_2 = vector.load %arg1[%get3A, %get3A_0, %get3A_1] : memref<2x2000x32xf32, #tpu.memory_space<vmem>>, vector<2x2000x32xf32>
    %slice3A = vector.extract_strided_slice %get3A_2 {offsets = [0, 0, 0], sizes = [1, 2000, 32], strides = [1, 1, 1]} : vector<2x2000x32xf32> to vector<1x2000x32xf32>
    %squeeze3A = vector.shape_cast %slice3A : vector<1x2000x32xf32> to vector<2000x32xf32>
    %slice3A_3 = vector.extract_strided_slice %get3A_2 {offsets = [1, 0, 0], sizes = [1, 2000, 32], strides = [1, 1, 1]} : vector<2x2000x32xf32> to vector<1x2000x32xf32>
    %squeeze3A_4 = vector.shape_cast %slice3A_3 : vector<1x2000x32xf32> to vector<2000x32xf32>
    %add3A = arith.addf %squeeze3A, %squeeze3A_4 : vector<2000x32xf32>
    %get3A_5 = arith.constant 0 : index
    %get3A_6 = arith.constant 0 : index
    %get3A_7 = vector.load %arg2[%get3A_5, %get3A_6] : memref<32x32xf32, #tpu.memory_space<vmem>>, vector<32x32xf32>
    %dot_general3A = arith.constant dense<0.000000e+00> : vector<2000x32xf32>
    %dot_general3A_8 = tpu.matmul %add3A, %get3A_7, %dot_general3A {dimension_numbers = #tpu.dot_dimension_numbers<[1], [1], [0], [0], [0, 0, 1, 0], [], []>, transpose_lhs_hint = false} : vector<2000x32xf32>, vector<32x32xf32>, vector<2000x32xf32> -> vector<2000x32xf32>
    %swap3A = arith.constant 0 : index
    %swap3A_9 = arith.constant 0 : index
    %swap3A_10 = vector.load %arg3[%swap3A, %swap3A_9] : memref<2000x32xf32, #tpu.memory_space<vmem>>, vector<2000x32xf32>
    tpu.vector_store %arg3[%swap3A, %swap3A_9], %dot_general3A_8 {strides = array<i32>} : memref<2000x32xf32, #tpu.memory_space<vmem>>, vector<2000x32xf32>,
    return
  }
  func.func @transform_0(%arg0: i32) -> (i32, i32, i32) {
    %c0_i32 = arith.constant 0 : i32
    %c0_i32_0 = arith.constant 0 : i32
    %c0_i32_1 = arith.constant 0 : i32
    return %c0_i32, %arg0, %c0_i32_0 : i32, i32, i32
  }
  func.func @transform_1(%arg0: i32) -> (i32, i32) {
    %c0_i32 = arith.constant 0 : i32
    %c0_i32_0 = arith.constant 0 : i32
    %c0_i32_1 = arith.constant 0 : i32
    return %c0_i32, %c0_i32_0 : i32, i32
  }
  func.func @transform_2(%arg0: i32) -> (i32, i32) {
    %c0_i32 = arith.constant 0 : i32
    %c0_i32_0 = arith.constant 0 : i32
    return %arg0, %c0_i32 : i32, i32
  }
}

</mosaic_0001>

<sc_bundles>
// kernel: kernel.10.cloned.1.call-start
scs
__scs_entry_jumppad:
0x0: {  	(pc) =	sbr.rel $0x88, $3  }
0x1: {  	(tag) =	ssettag $0x0;
	lr =	simm.s32 $0x1  }
0x2: {  	[smem:$0x3F96] =	sst lr;
	_ =	strace $0xD0000000  }
0x3: {  	_ = 	snop  }
0x4: {  	_ = 	snop  }
0x5: {  	_ = 	snop  }
0x6: {  	_ = 	snop  }
0x7: {  	_ = 	snop  }
__scs_overlays_trampoline_lowered:
0x8: {  	[smem:$0x3FA5] =	sst s0  }
0x9: {  	[smem:$0x3FA6] =	sst s1  }
0xa: {  	[smem:$0x3FA7] =	sst s2  }
0xb: {  	[smem:$0x3FA8] =	sst s3  }
0xc: {  	[smem:$0x3FA9] =	sst s4  }
0xd: {  	[smem:$0x3FAA] =	sst s5  }
0xe: {  	[smem:$0x3FAB] =	sst s6  }
0xf: {  	[smem:$0x3FAC] =	sst s7  }
0x10: {  	[smem:$0x3FAD] =	sst s8  }
0x11: {  	[smem:$0x3FAE] =	sst s9;
	s0 =	simm.s32 @!p0 $0x0  }
0x12: {  	s1 =	sld [smem:$0x3F94];
	s0 =	simm.s32 @p0 $0x1  }
0x13: {  	[smem:$0x3FAF] =	sst s0;
	s0 =	simm.s32 @!p1 $0x0  }
0x14: {  	s2 =	sld [smem:$0x3F93];
	s0 =	simm.s32 @p1 $0x1  }
0x15: {  	[smem:$0x3FB0] =	sst s0;
	s0 =	simm.s32 @!p2 $0x0  }
0x16: {  	s3 =	sld [smem:$0x3FDB];
	s0 =	simm.s32 @p2 $0x1  }
0x17: {  	s4 =	simm.s32 $0x1BF5;
	[smem:$0x3FB2] =	sst s0  }
0x18: {  	s0 =	sld [smem:$0x3F95];
	_ =	swait.ge [sflag:s4], $0x0  }
0x19: {  	s7 =	sld [smem:$0x3F96]  }
0x1a: {  	s8 =	sadd.s32 $0xFFFFE003, lr  }
0x1b: {  	s9 =	sadd.s32 $0xFFFFFEF7, lr;
	s5 =	simm.s32 $0xFFFFFFFF;
	p2 =	slt.u32 s8, $0xFFFFF086  }
0x1c: {  	p1 =	slt.u32 s9, $0xF7A;
	s5 =	simm.s32 @!p2 $0x0  }
0x1d: {  	s5 =	simm.s32 @p1 $0x1;
	p0 =	seq.s32 s7, s2  }
0x1e: {  	s7 =	smul.u32 @!p0 $0xF7A, s2;
	p2 =	seq.s32 @!p0 s5, $0x0  }
0x1f: {  	s9 =	smul.u32 $0xF7A, s1;
	s8 =	simm.s32 @!p0 $0x1BF5;
	p2 =	por !p2, p0  }
0x20: {  	[sflag:s8] =	ssyncset.s32 @!p0 $0xFFFFF086;
	s6 =	sadd.s32 @!p0 s3, s7;
	s7 =	simm.s32 @!p0 $0x108  }
0x21: {  	s3 =	sadd.s32 s3, s9;
	s6 =	sadd.s32 @!p0 $0x88, s6;
	s7 =	simm.s32 @p2 $0x1082  }
0x22: {  	[simem:s7], [sflag:s8] =	dma.local @!p0 [hbm:s6], $0xF7A  }
0x23: {  	s9 =	sor.u32 $0xD0000000, s2;
	s6 =	simm.s32 $0x108;
	_ =	swait.ge @!p0 [sflag:s8], $0x0  }
0x24: {  	s3 =	sadd.s32 $0x88, s3;
	s6 =	simm.s32 @!p1 $0x1082;
	[sflag:s4] =	ssyncset.s32 $0xFFFFF086  }
0x25: {  	[simem:s6], [sflag:s4] =	dma.local [hbm:s3], $0xF7A  }
0x26: {  	[smem:$0x3F96] =	sst s1;
	(tag) =	ssettag s2;
	_ =	strace s9  }
0x27: {  	s1 =	sld [smem:$0x3FA6]  }
0x28: {  	s2 =	sld [smem:$0x3FA7]  }
0x29: {  	s4 =	sld [smem:$0x3FA9]  }
0x2a: {  	p0 =	seq.s32 s5, $0x0;
	s5 =	sld [smem:$0x3FAA]  }
0x2b: {  	s6 =	sld [smem:$0x3FAB]  }
0x2c: {  	s7 =	sld [smem:$0x3FAC]  }
0x2d: {  	s3 =	simm.s32 $0x108;
	s8 =	sld [smem:$0x3FAD]  }
0x2e: {  	s3 =	simm.s32 @!p0 $0x1082;
	s9 =	sld [smem:$0x3FAE]  }
0x2f: {  	lr =	sadd.s32 s0, s3;
	s0 =	sld [smem:$0x3FA5]  }
0x30: {  	s3 =	sld [smem:$0x3FA8]  }
0x31: {  	[smem:$0x3FB1] =	sst s10  }
0x32: {  	s10 =	sld [smem:$0x3FAF];
	_ =	sdelay $0x3  }
0x33: {  	p0 =	seq.s32 s10, $0x1;
	s10 =	sld [smem:$0x3FB1];
	_ =	sdelay $0x3  }
0x34: {  	[smem:$0x3FB1] =	sst s10  }
0x35: {  	s10 =	sld [smem:$0x3FB0];
	_ =	sdelay $0x3  }
0x36: {  	p1 =	seq.s32 s10, $0x1;
	s10 =	sld [smem:$0x3FB1];
	_ =	sdelay $0x3  }
0x37: {  	[smem:$0x3FB1] =	sst s10  }
0x38: {  	s10 =	sld [smem:$0x3FB2]  }
0x39: {  	_ = 	snop;
	(pc) =	sbr.ind lr, $3  }
0x3a: {  	_ = 	snop  }
0x3b: {  	_ = 	snop  }
0x3c: {  	p2 =	seq.s32 s10, $0x1;
	s10 =	sld [smem:$0x3FB1]  }
0x3d: {  	_ =	shalt  }
0x3e: {  	_ =	shalt  }
0x3f: {  	_ =	shalt  }
0x40: {  	_ =	shalt  }
0x41: {  	_ =	shalt  }
0x42: {  	_ =	shalt  }
0x43: {  	_ =	shalt  }
0x44: {  	_ =	shalt  }
0x45: {  	_ =	shalt  }
0x46: {  	_ =	shalt  }
0x47: {  	_ =	shalt  }
0x48: {  	_ =	shalt  }
0x49: {  	_ =	shalt  }
0x4a: {  	_ =	shalt  }
0x4b: {  	_ =	shalt  }
0x4c: {  	_ =	shalt  }
0x4d: {  	_ =	shalt  }
0x4e: {  	_ =	shalt  }
0x4f: {  	_ =	shalt  }
0x50: {  	_ =	shalt  }
0x51: {  	_ =	shalt  }
0x52: {  	_ =	shalt  }
0x53: {  	_ =	shalt  }
0x54: {  	_ =	shalt  }
0x55: {  	_ =	shalt  }
0x56: {  	_ =	shalt  }
0x57: {  	_ =	shalt  }
0x58: {  	_ =	shalt  }
0x59: {  	_ =	shalt  }
0x5a: {  	_ =	shalt  }
0x5b: {  	_ =	shalt  }
0x5c: {  	_ =	shalt  }
0x5d: {  	_ =	shalt  }
0x5e: {  	_ =	shalt  }
0x5f: {  	_ =	shalt  }
0x60: {  	_ =	shalt  }
0x61: {  	_ =	shalt  }
0x62: {  	_ =	shalt  }
0x63: {  	_ =	shalt  }
0x64: {  	_ =	shalt  }
0x65: {  	_ =	shalt  }
0x66: {  	_ =	shalt  }
0x67: {  	_ =	shalt  }
0x68: {  	_ =	shalt  }
0x69: {  	_ =	shalt  }
0x6a: {  	_ =	shalt  }
0x6b: {  	_ =	shalt  }
0x6c: {  	_ =	shalt  }
0x6d: {  	_ =	shalt  }
0x6e: {  	_ =	shalt  }
0x6f: {  	_ =	shalt  }
0x70: {  	_ =	shalt  }
0x71: {  	_ =	shalt  }
0x72: {  	_ =	shalt  }
0x73: {  	_ =	shalt  }
0x74: {  	_ =	shalt  }
0x75: {  	_ =	shalt  }
0x76: {  	_ =	shalt  }
0x77: {  	_ =	shalt  }
0x78: {  	_ =	shalt  }
0x79: {  	_ =	shalt  }
0x7a: {  	_ =	shalt  }
0x7b: {  	_ =	shalt  }
0x7c: {  	_ =	shalt  }
0x7d: {  	_ =	shalt  }
0x7e: {  	_ =	shalt  }
0x7f: {  	_ =	shalt  }
0x80: {  	_ =	shalt  }
0x81: {  	_ =	shalt  }
0x82: {  	_ =	shalt  }
0x83: {  	_ =	shalt  }
0x84: {  	_ =	shalt  }
0x85: {  	_ =	shalt  }
0x86: {  	_ =	shalt  }
0x87: {  	_ =	shalt  }
.Lfunc_end0:
.L_simem_size_0:
called_computation.1_lowered:
.L_overlay_start_0:
0x88: {  	s2 =	sld [smem:$0x3FD9]  }
0x89: {  	s3 =	sld [smem:$0x3FFE];
	_ =	sdelay $0x1  }
0x8a: {  	s1 =	srdreg.scid  }
0x8b: {  	s0 =	sand.u32 $0x1, s1  }
0x8c: {  	s17 =	sshll.u32 s0, $0xA;
	s2 =	sadd.s32 s3, s2  }
0x8d: {  	s2 =	sadd.s32 s2, s17  }
0x8e: {  	[smem:$0x3FBD] =	sst s2  }
0x8f: {  	_ = 	snop  }
0x90: {  	s2 =	sld [smem:$0x3FD0];
	(tm) =	ssettm $0x1  }
0x91: {  	s18 =	sld [smem:$0x3FFB];
	_ =	sdelay $0x3  }
0x92: {  	_ =	strace s18  }
0x93: {  	s3 =	sld [smem:$0x3FFC];
	_ =	sdelay $0x3  }
0x94: {  	_ =	strace s3  }
0x95: {  	s3 =	sld [smem:$0x3FFD];
	_ =	sdelay $0x3  }
0x96: {  	_ =	strace s3  }
0x97: {  	_ =	strace $0x8FFFFFFF  }
0x98: {  	s19 =	sld [smem:$0x3FDB];
	_ =	sdelay $0x1  }
0x99: {  	s4 =	simm.s32 $_scs_section_size  }
0x9a: {  	s5 =	simm.s32 $_size__tile_overlayer_lowered;
	s6 =	simm.s32 $_tile_overlayer_lowered  }
0x9b: {  	s22 =	simm.s32 $0x1BFF;
	s21 =	sshll.u32 s6, $0x1;
	s3 =	sadd.s32 s4, s19  }
0x9c: {  	s7 =	simm.s32 $0x0;
	s20 =	sshll.u32 s5, $0x1;
	s5 =	sadd.s32 s21, s3  }
0x9d: {  	[timem:s7], [sflag:s22] =	dma.local [hbm:s5], s20  }
0x9e: {  	_ =	swait.ge [sflag:s22], s20  }
0x9f: {  	s4 =	ssub.s32 $0x0, s20;
	[sflag:s22] =	ssyncset.done $0x0  }
0xa0: {  	[sflag:s22] =	ssyncadd.s32 s4;
	_ =	sdelay $0x1  }
0xa1: {  	s23 =	simm.s32 $0x1B8B  }
0xa2: {  	_ =	swait.ge [sflag:s23], $0x1  }
0xa3: {  	[sflag:s23] =	ssyncset.done $0x0  }
0xa4: {  	s25 =	simm.s32 $0x1B8E;
	s24 =	sld [smem:$0x3FFE];
	[sflag:s23] =	ssyncadd.s32 $0xFFFFFFFF  }
0xa5: {  	s26 =	simm.s32 $execute0_lowered;
	[smem:$0x3FD2] =	sst s25  }
0xa6: {  	s5 =	sshll.u32 s26, $0x1;
	_ =	strace $0x80000049;
	[dreg:$0x1] =	wrdreg $0xFFFFFFFF  }
0xa7: {  	s28 =	simm.s32 $_size_execute0_lowered;
	s3 =	sadd.s32 s3, s5;
	[dreg:$0x0] =	wrdreg $0x0  }
0xa8: {  	s5 =	sshll.u32 s28, $0x1;
	[dreg:$0x2] =	wrdreg s3  }
0xa9: {  	[dreg:$0x3] =	wrdreg s5  }
0xaa: {  	[dreg:$0x4] =	wrdreg $0xC0  }
0xab: {  	_ =	task [dreg:s7], $0x5FFFF  }
0xac: {  	[dreg:$0x1] =	wrdreg $0xFFFFFFFF  }
0xad: {  	[dreg:$0x0] =	wrdreg $0x60  }
0xae: {  	[dreg:$0x2] =	wrdreg s24  }
0xaf: {  	[dreg:$0x3] =	wrdreg s2  }
0xb0: {  	[dreg:$0x4] =	wrdreg $0x5FF00  }
0xb1: {  	[dreg:$0x5] =	wrdreg $0x9  }
0xb2: {  	_ =	task.clear_ibuf [dreg:s7], $0x6FFFF;
	_ =	strace $0x90000049  }
0xb3: {  	s29 =	simm.s32 $0x9;
	_ =	strace $0x8000004B  }
0xb4: {  	_ =	swait.ge [sflag:s29], $0x1  }
0xb5: {  	[sflag:s29] =	ssyncadd.s32 $0xFFFFFFFF  }
0xb6: {  	_ =	strace $0x9000004B  }
0xb7: {  	_ =	sfence  }
0xb8: {  	s30 =	sld [smem:$0x0];
	_ =	sdelay $0x2  }
0xb9: {  	s31 =	sshll.u32 s1, $0xD;
	s1 =	sshrl.u32 s1, $0x2  }
0xba: {  	s3 =	sand.u32 $0x4000, s31;
	s1 =	sadd.s32 s1, s30  }
0xbb: {  	s0 =	sor.u32 s3, s0;
	s1 =	sshll.u32 s1, $0x11  }
0xbc: {  	s0 =	sor.u32 s1, s0  }
0xbd: {  	s0 =	sadd.s32 $0x8F2B, s0  }
0xbe: {  	[sflag:s0] =	ssyncadd.remote.s32 $0x1  }
0xbf: {  	_ =	sfence.sel $0xFFFF  }
0xc0: {  	[dreg:$0x0] =	wrdreg $0xFFFFFFFF;
	(pc) =	sbr.abs _section_cstart, $3  }
0xc1: {  	[dreg:$0x1] =	wrdreg $0xFFFFFFFF  }
0xc2: {  	_ =	task.clear_ibuf [dreg:s7], $0x2FFFF;
	_ =	strace $0x9FFFFFFF  }
0xc3: {  	(tm) =	ssettm $0x7FFFFFFF  }
tec
execute0_lowered:
.L_overlay_start_1:
0x0: {  	(tag) =	ssettag $0x1  }
0x1: {  	s0 =	rddreg [dreg:$0x0]  }
0x2: {  	s2 =	rddreg [dreg:$0x1]  }
0x3: {  	s1 =	rddreg [dreg:$0x2];
	s3 =	simm.s32 $0x0;
	s5 =	srdreg.scid  }
0x4: {  	s16 =	stileid.u32;
	s17 =	simm.s32 $0x3;
	s20 =	simm.s32 $0x80  }
0x5: {  	s21 =	simm.s32 $0x100;
	s28 =	simm.s32 $0x4080;
	s30 =	simm.s32 $0x5020  }
0x6: {  	[smem:$0x7FF] =	sst s3;
	s4 =	sadd.s32 $0x73E00, s0;
	s11 =	sand.u32 $0x1, s5  }
0x7: {  	s12 =	smul.u32 $0x186A0, s16;
	s5 =	sadd.s32 $0xD5A00, s0;
	s6 =	sadd.s32 $0x35600, s0  }
0x8: {  	s29 =	simm.s32 $0x2;
	s7 =	sadd.s32 $0x13B400, s0;
	s8 =	sadd.s32 $0x154400, s0  }
0x9: {  	s31 =	simm.s32 $0x0;
	s9 =	sadd.s32 $0x16D400, s0;
	s10 =	sadd.s32 $0x186400, s0  }
0xa: {  	s14 =	sadd.s32 $0x19F600, s0;
	s15 =	sshll.u32 s16, $0x1;
	s26 =	sshll.u32 s16, $0x6  }
0xb: {  	_ =	strace $0x8000004A;
	s13 =	smul.u32 $0x186A00, s11;
	s22 =	ssub.s32 $0x2, s11  }
0xc: {  	[dreg:$0x4] =	wrdreg s14;
	s11 =	sor.u32 s11, s15;
	s23 =	sshrl.u32 s22, $0x1  }
0xd: {  	s24 =	sshrl.u32 s12, $0x3;
	s13 =	sadd.s32 s12, s13;
	s14 =	ssub.s32 s22, s23  }
0xe: {  	s12 =	sadd.s32 s12, s1;
	s2 =	sadd.s32 s2, s24;
	s22 =	simm.s32 $0x180  }
0xf: {  	s23 =	simm.s32 $0x1;
	s24 =	simm.s32 $0x7D;
	s13 =	sshrl.u32 s13, $0x3  }
0x10: {  	[dreg:$0x5] =	wrdreg s2;
	s25 =	smax.u32 s14, $0x1;
	s12 =	sshrl.u32 s12, $0x3  }
0x11: {  	s0 =	sadd.s32 s13, s0;
	s13 =	smul.u32 $0xC8, s11;
	[dreg:$0x7] =	wrdreg s25  }
0x12: {  	s11 =	sor.u32 $0x1C03, s26;
	[dreg:$0x8] =	wrdreg s12;
	s0 =	sadd.s32 $0x19F800, s0  }
0x13: {  	s25 =	simm.s32 $0x200;
	s26 =	simm.s32 $0x2140;
	[dreg:$0x6] =	wrdreg s0  }
.LBB2_1:
0x14: {  	s0 =	rddreg [dreg:$0x4];
	s2 =	simm.s32 $0x5FC0  }
0x15: {  	[tilespmem:s2], [sflag:$0x3] =	stream.linear.gather [hbm4b:s0+s3], $0x30, $0x38;
	[tilespmem:$0x1E690] =	vst v63  }
0x16: {  	_ =	swait.ge [sflag:s17], $0x30  }
0x17: {  	[sflag:s17] =	ssyncset.done $0x0  }
0x18: {  	s18 =	rddreg [dreg:$0x5];
	[sflag:s17] =	ssyncadd.s32 $0xFFFFFFD0  }
0x19: {  	[spmem:s12], [sflag:s11] =	dma.local [hbm:s18], $0x30D4  }
0x1a: {  	_ =	swait.ge [sflag:s17], $0x30D4  }
0x1b: {  	[sflag:s17] =	ssyncset.done $0x0  }
0x1c: {  	[sflag:s17] =	ssyncadd.s32 $0xFFFFCF2C  }
0x1d: {  	[bflag:$0x0] =	sbarrier.arrive $0xFFFF  }
0x1e: {  	v0 =	vld [tilespmem:$0x5FC0]  }
0x1f: {  	v1 =	vld [tilespmem:$0x5FD0]  }
0x20: {  	s19 =	smov.u32 s11;
	s0 =	simm.s32 $0x0;
	v2 =	vld [tilespmem:$0x5FE0]  }
.LBB2_2:
0x21: {  	s2 =	sadd.s32 s13, s0  }
0x22: {  	s2 =	sshll.u32 s2, $0x4  }
0x23: {  	s11 =	sadd.s32 s7, s2  }
0x24: {  	[tilespmem:s3], [sflag:$0x1] =	stream.linear.gather [hbm4b:s11+s3], $0x80, $0x38;
	[tilespmem:$0x1E690] =	vst v63  }
0x25: {  	s15 =	sadd.s32 s8, s2  }
0x26: {  	[tilespmem:s20], [sflag:$0x1] =	stream.linear.gather [hbm4b:s15+s3], $0x80, $0x38;
	[tilespmem:$0x1E690] =	vst v63  }
0x27: {  	s16 =	sadd.s32 s9, s2  }
0x28: {  	[tilespmem:s21], [sflag:$0x1] =	stream.linear.gather [hbm4b:s16+s3], $0x80, $0x38;
	[tilespmem:$0x1E690] =	vst v63  }
0x29: {  	s2 =	sadd.s32 s10, s2  }
0x2a: {  	[tilespmem:s22], [sflag:$0x1] =	stream.linear.gather [hbm4b:s2+s3], $0x80, $0x38;
	[tilespmem:$0x1E690] =	vst v63  }
0x2b: {  	_ =	swait.ge [sflag:s23], $0x80  }
0x2c: {  	[sflag:s23] =	ssyncset.done $0x0  }
0x2d: {  	[sflag:s23] =	ssyncadd.s32 $0xFFFFFF80  }
0x2e: {  	_ =	swait.ge [sflag:s23], $0x80  }
0x2f: {  	[sflag:s23] =	ssyncset.done $0x0  }
0x30: {  	[sflag:s23] =	ssyncadd.s32 $0xFFFFFF80  }
0x31: {  	_ =	swait.ge [sflag:s23], $0x80  }
0x32: {  	[sflag:s23] =	ssyncset.done $0x0  }
0x33: {  	[sflag:s23] =	ssyncadd.s32 $0xFFFFFF80  }
0x34: {  	_ =	swait.ge [sflag:s23], $0x80  }
0x35: {  	[sflag:s23] =	ssyncset.done $0x0  }
0x36: {  	[sflag:s23] =	ssyncadd.s32 $0xFFFFFF80  }
0x37: {  	[tilespmem:s25], [sflag:$0x2] =	stream.indirect.gather [hbm4b:s4+s24], $0x40, s3, s24, $0xb8;
	[tilespmem:$0x1E690] =	vst v63  }
0x38: {  	_ = 	snop  }
0x39: {  	[tilespmem:s26], [sflag:$0x2] =	stream.indirect.gather [hbm4b:s5+s24], $0x40, s20, s24, $0xb8;
	[tilespmem:$0x1E690] =	vst v63  }
0x3a: {  	_ = 	snop  }
0x3b: {  	[tilespmem:s28], [sflag:$0x2] =	stream.indirect.gather [hbm4b:s6+s24], $0x20, s21, s24, $0xb8;
	[tilespmem:$0x1E690] =	vst v63  }
0x3c: {  	_ =	swait.ge [sflag:s29], $0x1F40  }
0x3d: {  	[sflag:s29] =	ssyncset.done $0x0  }
0x3e: {  	[sflag:s29] =	ssyncadd.s32 $0xFFFFE0C0  }
0x3f: {  	_ =	swait.ge [sflag:s29], $0x1F40  }
0x40: {  	[sflag:s29] =	ssyncset.done $0x0  }
0x41: {  	[sflag:s29] =	ssyncadd.s32 $0xFFFFE0C0  }
0x42: {  	_ =	swait.ge [sflag:s29], $0xFA0  }
0x43: {  	[sflag:s29] =	ssyncset.done $0x0  }
0x44: {  	s14 =	simm.s32 $0x2A0;
	[sflag:s29] =	ssyncadd.s32 $0xFFFFF060  }
0x45: {  	s12 =	simm.s32 $0x21E0;
	v3 =	vld [tilespmem:s14+$0x80]  }
0x46: {  	v4 =	vld [tilespmem:s12+$0x80]  }
0x47: {  	v5 =	vld [tilespmem:s14+$0x90]  }
0x48: {  	s18 =	simm.s32 $0x40D0;
	v6 =	vld [tilespmem:s12+$0x90]  }
0x49: {  	v7 =	vld [tilespmem:s18+$0x30]  }
0x4a: {  	v8 =	vld [tilespmem:s18+$0x40]  }
0x4b: {  	v9 =	vld [tilespmem:s12+$0xFFFFFF80]  }
0x4c: {  	v10 =	vld [tilespmem:s14+$0xFFFFFF90]  }
0x4d: {  	v11 =	vld [tilespmem:s12+$0xFFFFFF90]  }
0x4e: {  	v12 =	vld [tilespmem:s14+$0xFFFFFFC0]  }
0x4f: {  	v13 =	vld [tilespmem:s12+$0xFFFFFFC0]  }
0x50: {  	v14 =	vld [tilespmem:s14+$0xFFFFFFD0]  }
0x51: {  	v15 =	vld [tilespmem:s12+$0xFFFFFFD0]  }
0x52: {  	v16 =	vld [tilespmem:s14+$0x0]  }
0x53: {  	v17 =	vld [tilespmem:s12+$0x0]  }
0x54: {  	v18 =	vld [tilespmem:s14+$0x10]  }
0x55: {  	v19 =	vld [tilespmem:s12+$0x10]  }
0x56: {  	v20 =	vld [tilespmem:s14+$0x40]  }
0x57: {  	v21 =	vld [tilespmem:s12+$0x40]  }
0x58: {  	v22 =	vld [tilespmem:s14+$0x50]  }
0x59: {  	v23 =	vld [tilespmem:s12+$0x50]  }
0x5a: {  	v24 =	vld [tilespmem:s14+$0xFFFFFF80]  }
0x5b: {  	v25 =	vld [tilespmem:s18+$0xFFFFFFB0]  }
0x5c: {  	v26 =	vld [tilespmem:s18+$0xFFFFFFC0]  }
0x5d: {  	v27 =	vld [tilespmem:s18+$0x10]  }
0x5e: {  	v28 =	vld [tilespmem:s18+$0x20]  }
0x5f: {  	v29 =	vld [tilespmem:s14+$0xFFFFFF60]  }
0x60: {  	v30 =	vld [tilespmem:s14+$0xFFFFFF70];
	v3 =	vadd.f32 v4, v3;
	v4 =	vadd.f32 v6, v5  }
0x61: {  	v31 =	vld [tilespmem:s14+$0xFFFFFFA0]  }
0x62: {  	s16 =	simm.s32 $0x2320;
	v32 =	vld [tilespmem:s12+$0xFFFFFFA0];
	v3 =	vadd.f32 v7, v3;
	v4 =	vadd.f32 v8, v4  }
0x63: {  	v43 =	vld [tilespmem:s16+$0x80]  }
0x64: {  	s11 =	simm.s32 $0x4170;
	v44 =	vld [tilespmem:s16+$0x90];
	v3 =	vmax.f32 v3, $0.0e+00;
	v4 =	vmax.f32 v4, $0.0e+00  }
0x65: {  	v45 =	vld [tilespmem:s11+$0x30];
	v3 =	vmul.f32 v3, v0;
	v4 =	vmul.f32 v4, v1  }
0x66: {  	v47 =	vld [tilespmem:s11+$0x40]  }
0x67: {  	v48 =	vld [tilespmem:s16+$0xFFFFFF80];
	v3 =	vadd.f32 v4, v3  }
0x68: {  	v5 =	vld [tilespmem:s18+$0xFFFFFFD0]  }
0x69: {  	v6 =	vld [tilespmem:s18+$0xFFFFFFE0];
	(xrf2) =	vadd.scan.msk.f32 $0xffff, v3  }
0x6a: {  	v9 =	vadd.f32 v9, v24;
	v7 =	vld [tilespmem:s18+$0xFFFFFFF0]  }
0x6b: {  	s2 =	simm.s32 $0x3E0;
	v10 =	vadd.f32 v11, v10;
	v12 =	vadd.f32 v13, v12;
	v8 =	vld [tilespmem:s18+$0x0]  }
0x6c: {  	v49 =	vld [tilespmem:s2+$0xFFFFFF90];
	v13 =	vadd.f32 v15, v14;
	v9 =	vadd.f32 v25, v9  }
0x6d: {  	v51 =	vld [tilespmem:s16+$0xFFFFFF90];
	v15 =	vadd.f32 v17, v16;
	v10 =	vadd.f32 v26, v10  }
0x6e: {  	v53 =	vld [tilespmem:s14+$0x60];
	v17 =	vadd.f32 v19, v18;
	v9 =	vmax.f32 v9, $0.0e+00;
	v5 =	vadd.f32 v5, v12  }
0x6f: {  	v55 =	vld [tilespmem:s12+$0x60];
	v10 =	vmax.f32 v10, $0.0e+00;
	v6 =	vadd.f32 v6, v13;
	v9 =	vmul.f32 v9, v0  }
0x70: {  	v58 =	vld [tilespmem:s16+$0xFFFFFFC0];
	v5 =	vmax.f32 v5, $0.0e+00;
	v7 =	vadd.f32 v7, v15;
	v8 =	vadd.f32 v8, v17  }
0x71: {  	v33 =	vld [tilespmem:s2+$0xFFFFFFD0];
	v10 =	vmul.f32 v10, v1;
	v6 =	vmax.f32 v6, $0.0e+00;
	v5 =	vmul.f32 v5, v0  }
0x72: {  	v35 =	vld [tilespmem:s16+$0xFFFFFFD0];
	v6 =	vmul.f32 v6, v1;
	v7 =	vmax.f32 v7, $0.0e+00;
	v8 =	vmax.f32 v8, $0.0e+00  }
0x73: {  	v36 =	vld [tilespmem:s2+$0x0];
	v9 =	vadd.f32 v10, v9;
	v7 =	vmul.f32 v7, v0;
	v8 =	vmul.f32 v8, v1;
	v19, _, _ =	vpop (xrf2)  }
0x74: {  	v59 =	vld [tilespmem:s2+$0x10];
	v5 =	vadd.f32 v6, v5;
	v19 =	vbroadcast v19, $0xF  }
0x75: {  	v63 =	vld [tilespmem:s2+$0x40];
	v7 =	vadd.f32 v8, v7;
	(xrf2) =	vadd.scan.msk.f32 $0xffff, v9  }
0x76: {  	v8 =	vld [tilespmem:s2+$0x80];
	(xrf2) =	vadd.scan.msk.f32 $0xffff, v5;
	v19 =	vadd.f32 v19, v2  }
0x77: {  	v42 =	vadd.f32 v23, v22;
	(xrf2) =	vadd.scan.msk.f32 $0xffff, v7;
	v7 =	vld [tilespmem:s2+$0x90]  }
0x78: {  	v37 =	vld [tilespmem:s16+$0x40];
	v20 =	vadd.f32 v21, v20;
	v19 =	vsub.f32 $0.0e+00, v19  }
0x79: {  	v40 =	vld [tilespmem:s11+$0xFFFFFFD0];
	v21 =	vadd.f32 v28, v42  }
0x7a: {  	v11 =	vld [tilespmem:s14+$0xFFFFFFB0];
	v20 =	vadd.f32 v27, v20;
	v19 =	vmul.f32 $1.442695020e+00, v19  }
0x7b: {  	v14 =	vld [tilespmem:s12+$0xFFFFFFB0];
	v46 =	vmax.f32 v21, $0.0e+00;
	v8 =	vadd.f32 v43, v8  }
0x7c: {  	v13 =	vld [tilespmem:s14+$0xFFFFFFF0];
	v7 =	vadd.f32 v44, v7;
	(erf) = vpow2.f32 v19;
	v19 =	vmax.f32 v20, $0.0e+00  }
0x7d: {  	v15 =	vld [tilespmem:s12+$0xFFFFFFF0];
	v8 =	vadd.f32 v45, v8;
	v20 =	vmul.f32 v46, v1;
	v19 =	vmul.f32 v19, v0  }
0x7e: {  	v16 =	vld [tilespmem:s14+$0xFFFFFFE0];
	v7 =	vadd.f32 v47, v7  }
0x7f: {  	v12 =	vld [tilespmem:s12+$0xFFFFFFE0];
	v8 =	vmax.f32 v8, $0.0e+00;
	v19 =	vadd.f32 v20, v19  }
0x80: {  	v4 =	vld [tilespmem:s12+$0xFFFFFF60];
	v8 =	vmul.f32 v8, v0;
	v50, _, _ =	vpop (xrf2);
	v7 =	vmax.f32 v7, $0.0e+00  }
0x81: {  	v10 =	vld [tilespmem:s14+$0x30];
	v52, _, _ =	vpop (xrf2);
	v20 =	vbroadcast v50, $0xF;
	v7 =	vmul.f32 v7, v1;
	(xrf2) =	vadd.scan.msk.f32 $0xffff, v19  }
0x82: {  	v3 =	vld [tilespmem:s12+$0xFFFFFF70];
	v15 =	vadd.f32 v15, v13  }
0x83: {  	v13 =	vld [tilespmem:s2+$0xFFFFFF80];
	v54 =	vbroadcast v52, $0xF;
	v57, _, _ =	vpop (xrf2);
	v20 =	vadd.f32 v20, v2;
	v7 =	vadd.f32 v7, v8  }
0x84: {  	v38 =	vadd.f32 v32, v31;
	v41 =	vadd.f32 v35, v33;
	v9 =	vld [tilespmem:s14+$0x70];
	v23 =	vbroadcast v57, $0xF  }
0x85: {  	v5 =	vld [tilespmem:s12+$0x70];
	v56 =	vadd.f32 v54, v2;
	v20 =	vsub.f32 $0.0e+00, v20;
	(xrf2) =	vadd.scan.msk.f32 $0xffff, v7;
	v34 =	vpop (erf)  }
0x86: {  	v19 =	vld [tilespmem:s2+$0xFFFFFFC0];
	v23 =	vadd.f32 v23, v2;
	v34 =	vadd.f32 $1.000000000e+00, v34  }
0x87: {  	v14 =	vadd.f32 v14, v11;
	v8 =	vld [tilespmem:s16+$0x0];
	v21 =	vsub.f32 $0.0e+00, v56;
	v20 =	vmul.f32 $1.442695020e+00, v20  }
0x88: {  	v16 =	vadd.f32 v12, v16;
	v7 =	vld [tilespmem:s16+$0x10];
	v61 =	vsub.f32 $0.0e+00, v23;
	(erf) = vrcp.f32 v34  }
0x89: {  	v6 =	vld [tilespmem:s12+$0x30];
	v62 =	vadd.f32 v4, v29;
	v60 =	vmul.f32 $1.442695020e+00, v21;
	(erf) = vpow2.f32 v20  }
0x8a: {  	v30 =	vadd.f32 v3, v30;
	v13 =	vadd.f32 v48, v13;
	v45 =	vld [tilespmem:s11+$0xFFFFFFF0];
	v3 =	vmul.f32 $1.442695020e+00, v61  }
0x8b: {  	v18 =	vld [tilespmem:s14+$0x20];
	v5 =	vadd.f32 v5, v9;
	v9 =	vadd.f32 v51, v49;
	(erf) = vpow2.f32 v60;
	v4, _, _ =	vpop (xrf2)  }
0x8c: {  	v17 =	vld [tilespmem:s12+$0x20];
	v19 =	vadd.f32 v58, v19;
	(erf) = vpow2.f32 v3;
	v12 =	vbroadcast v4, $0xF  }
0x8d: {  	v39 =	vld [tilespmem:s16+$0x50];
	v8 =	vadd.f32 v8, v36;
	v7 =	vadd.f32 v7, v59  }
0x8e: {  	v11 =	vld [tilespmem:s2+$0x50];
	v4 =	vadd.f32 v6, v10;
	v6 =	vadd.f32 v12, v2  }
0x8f: {  	v19 =	vadd.f32 v40, v19;
	v8 =	vadd.f32 v45, v8;
	v44, _, _ =	vpop (xrf2);
	v12 =	vld [tilespmem:s11+$0xFFFFFFC0]  }
0x90: {  	v43 =	vld [tilespmem:s11+$0xFFFFFFE0];
	v20 =	vadd.f32 v37, v63;
	v28 =	vbroadcast v44, $0xF;
	v6 =	vsub.f32 $0.0e+00, v6  }
0x91: {  	v48 =	vld [tilespmem:s11+$0x10];
	v3 =	vadd.f32 v17, v18;
	v18 =	vadd.f32 v55, v53;
	v17 =	vpop (erf)  }
0x92: {  	v19 =	vmax.f32 v19, $0.0e+00;
	v10 =	vld [tilespmem:s11+$0xFFFFFFB0];
	v28 =	vadd.f32 v28, v2;
	v42 =	vpop (erf);
	v6 =	vmul.f32 $1.442695020e+00, v6  }
0x93: {  	v47 =	vld [tilespmem:s11+$0x0];
	v5 =	vmul.f32 v17, v5;
	v17 =	vmul.f32 v17, v18;
	v26 =	vadd.f32 $1.000000000e+00, v42  }
0x94: {  	v49 =	vld [tilespmem:s11+$0x20];
	v46 =	vpop (erf);
	v9 =	vadd.f32 v12, v9;
	v12 =	vsub.f32 $0.0e+00, v28;
	(erf) = vpow2.f32 v6  }
0x95: {  	v51 =	vld [tilespmem:s16+$0xFFFFFF70];
	v18 =	vadd.f32 $1.000000000e+00, v46;
	v6 =	vadd.f32 v39, v11;
	v11 =	vpop (erf);
	(erf) = vrcp.f32 v26  }
0x96: {  	v50 =	vld [tilespmem:s2+$0xFFFFFF70];
	v8 =	vmax.f32 v8, $0.0e+00;
	v19 =	vmul.f32 v19, v0;
	v11 =	vadd.f32 $1.000000000e+00, v11  }
0x97: {  	v52 =	vld [tilespmem:s2+$0xFFFFFFA0];
	v10 =	vadd.f32 v10, v13;
	v12 =	vmul.f32 $1.442695020e+00, v12;
	(erf) = vrcp.f32 v18  }
0x98: {  	v7 =	vadd.f32 v47, v7;
	v8 =	vmul.f32 v8, v0;
	v13 =	vld [tilespmem:s2+$0xFFFFFF60];
	(erf) = vrcp.f32 v11  }
0x99: {  	v10 =	vmax.f32 v10, $0.0e+00;
	v9 =	vmax.f32 v9, $0.0e+00;
	v18 =	vld [tilespmem:s16+$0xFFFFFF60];
	(erf) = vpow2.f32 v12  }
0x9a: {  	v57 =	vld [tilespmem:s2+$0xFFFFFFE0];
	v10 =	vmul.f32 v10, v0;
	v9 =	vmul.f32 v9, v1;
	v11 =	vadd.f32 v43, v41  }
0x9b: {  	v54 =	vld [tilespmem:s2+$0xFFFFFFB0];
	v7 =	vmax.f32 v7, $0.0e+00;
	v6 =	vadd.f32 v49, v6;
	v12 =	vadd.f32 v48, v20  }
0x9c: {  	s12 =	simm.s32 $0x5070;
	v60 =	vld [tilespmem:s2+$0xFFFFFFF0];
	v7 =	vmul.f32 v7, v1;
	v9 =	vadd.f32 v9, v10;
	v11 =	vmax.f32 v11, $0.0e+00  }
0x9d: {  	v53 =	vld [tilespmem:s16+$0xFFFFFFA0];
	[tilespmem:s12+$0x40] =	vst v5;
	v6 =	vmax.f32 v6, $0.0e+00;
	v12 =	vmax.f32 v12, $0.0e+00;
	v11 =	vmul.f32 v11, v1;
	v56 =	vpop (erf)  }
0x9e: {  	v55 =	vld [tilespmem:s16+$0xFFFFFFB0];
	(xrf2) =	vadd.scan.msk.f32 $0xffff, v9;
	v59 =	vmul.f32 v12, v0;
	v5 =	vadd.f32 v18, v13;
	v58 =	vpop (erf);
	v28 =	vadd.f32 $1.000000000e+00, v56  }
0x9f: {  	v10 =	vld [tilespmem:s16+$0xFFFFFFE0];
	v13 =	vmul.f32 v6, v1;
	v19 =	vadd.f32 v11, v19;
	v11 =	vmul.f32 v58, v62  }
0xa0: {  	v61 =	vadd.f32 v7, v8;
	[tilespmem:s12+$0x30] =	vst v17;
	v18 =	vld [tilespmem:s16+$0xFFFFFFF0];
	v12 =	vpop (erf);
	v17 =	vmul.f32 v58, v30;
	(erf) = vrcp.f32 v28  }
0xa1: {  	(xrf2) =	vadd.scan.msk.f32 $0xffff, v19;
	v8 =	vmul.f32 v12, v38;
	v62 =	vpop (erf);
	v9 =	vmul.f32 v12, v14;
	v12 =	vld [tilespmem:s16+$0x20];
	[tilespmem:s12+$0xFFFFFFB0] =	vst v11  }
0xa2: {  	v11 =	vld [tilespmem:s2+$0x20];
	[tilespmem:s12+$0xFFFFFFC0] =	vst v17;
	v14 =	vpop (erf)  }
0xa3: {  	v17 =	vadd.f32 v13, v59;
	v16 =	vmul.f32 v62, v16;
	v13 =	vld [tilespmem:s2+$0x30];
	[tilespmem:s12+$0xFFFFFFD0] =	vst v8;
	v63 =	vadd.f32 $1.000000000e+00, v14  }
0xa4: {  	v7 =	vadd.f32 v53, v52;
	v6 =	vadd.f32 v51, v50;
	v21 =	vmul.f32 v62, v15;
	v14 =	vld [tilespmem:s16+$0x30];
	[tilespmem:s12+$0xFFFFFFE0] =	vst v9  }
0xa5: {  	(xrf2) =	vadd.scan.msk.f32 $0xffff, v61;
	v15 =	vld [tilespmem:s2+$0x70];
	v8 =	vadd.f32 v55, v54;
	[tilespmem:s12+$0xFFFFFFF0] =	vst v16;
	(erf) = vrcp.f32 v63  }
0xa6: {  	s15 =	simm.s32 $0x5;
	s18 =	simm.s32 $0x520;
	s14 =	simm.s32 $0x2320;
	v9 =	vadd.f32 v10, v57;
	v10 =	vadd.f32 v18, v60;
	v16 =	vld [tilespmem:s16+$0x70];
	[tilespmem:s12+$0x0] =	vst v21  }
.LBB2_3:
0xa7: {  	v18 =	vld [tilespmem:s18+$0x80];
	v11 =	vadd.f32 v12, v11;
	s16 =	sadd.s32 $0x140, s16  }
0xa8: {  	v12 =	vld [tilespmem:s16+$0x80];
	v19, _, _ =	vpop (xrf2);
	(xrf2) =	vadd.scan.msk.f32 $0xffff, v17  }
0xa9: {  	v17 =	vld [tilespmem:s18+$0x90];
	v19 =	vbroadcast v19, $0xF;
	v13 =	vadd.f32 v14, v13;
	v14 =	vpop (erf)  }
0xaa: {  	s15 =	sadd.s32 $0x5, s15;
	s11 =	sadd.s32 $0xA0, s11;
	v20 =	vld [tilespmem:s16+$0x90];
	v21 =	vmul.f32 v14, v3;
	v14 =	vmul.f32 v14, v4;
	v3 =	vmov v11  }
0xab: {  	p0 =	slt.u32 s15, $0x78;
	v11 =	vld [tilespmem:s11+$0x30];
	v19 =	vadd.f32 v19, v2;
	v22, _, _ =	vpop (xrf2);
	v4 =	vmov v13  }
0xac: {  	v13 =	vld [tilespmem:s11+$0x40];
	v23 =	vbroadcast v22, $0xF;
	[tilespmem:s12+$0x10] =	vst v21  }
0xad: {  	v15 =	vadd.f32 v16, v15;
	v21 =	vld [tilespmem:s16+$0xFFFFFF80];
	v19 =	vsub.f32 $0.0e+00, v19;
	[tilespmem:s12+$0x20] =	vst v14  }
0xae: {  	v14 =	vld [tilespmem:s18+$0xFFFFFF90];
	v16 =	vadd.f32 v23, v2;
	v22 =	vpop (erf)  }
0xaf: {  	v12 =	vadd.f32 v12, v18;
	v23 =	vld [tilespmem:s16+$0xFFFFFF90];
	v17 =	vadd.f32 v20, v17;
	v15 =	vmul.f32 v22, v15;
	v18, _, _ =	vpop (xrf2)  }
0xb0: {  	s12 =	sadd.s32 $0xA0, s12;
	v19 =	vmul.f32 $1.442695020e+00, v19;
	v16 =	vsub.f32 $0.0e+00, v16;
	v24 =	vbroadcast v18, $0xF;
	v20 =	vld [tilespmem:s2+$0x60];
	s2 =	smov.u32 s18  }
0xb1: {  	v11 =	vadd.f32 v11, v12;
	v12 =	vadd.f32 v13, v17;
	v13 =	vld [tilespmem:s14+$0x60];
	[tilespmem:s12+$0x40] =	vst v15;
	s14 =	smov.u32 s16  }
0xb2: {  	v15 =	vld [tilespmem:s18+$0xFFFFFFC0];
	v16 =	vmul.f32 $1.442695020e+00, v16;
	v17 =	vadd.f32 v24, v2;
	(erf) = vpow2.f32 v19;
	v18, _, _ =	vpop (xrf2)  }
0xb3: {  	v11 =	vmax.f32 v11, $0.0e+00;
	v19 =	vld [tilespmem:s16+$0xFFFFFFC0];
	v12 =	vmax.f32 v12, $0.0e+00;
	v18 =	vbroadcast v18, $0xF  }
0xb4: {  	v11 =	vmul.f32 v11, v0;
	v14 =	vadd.f32 v23, v14;
	v23 =	vld [tilespmem:s18+$0xFFFFFFD0];
	v12 =	vmul.f32 v12, v1  }
0xb5: {  	v17 =	vsub.f32 $0.0e+00, v17;
	v24 =	vld [tilespmem:s16+$0xFFFFFFD0];
	v18 =	vadd.f32 v18, v2;
	(erf) = vpow2.f32 v16  }
0xb6: {  	v16 =	vld [tilespmem:s18+$0x0];
	v11 =	vadd.f32 v12, v11;
	v12 =	vadd.f32 v13, v20  }
0xb7: {  	v17 =	vmul.f32 $1.442695020e+00, v17;
	v13 =	vld [tilespmem:s16+$0x0];
	v18 =	vsub.f32 $0.0e+00, v18  }
0xb8: {  	v15 =	vadd.f32 v19, v15;
	v19 =	vld [tilespmem:s18+$0x10];
	(xrf2) =	vadd.scan.msk.f32 $0xffff, v11;
	v11 =	vmul.f32 v22, v12  }
0xb9: {  	v12 =	vld [tilespmem:s16+$0x10];
	v18 =	vmul.f32 $1.442695020e+00, v18  }
0xba: {  	v20 =	vadd.f32 v24, v23;
	v22 =	vld [tilespmem:s18+$0x40];
	[tilespmem:s12+$0x30] =	vst v11;
	(erf) = vpow2.f32 v17  }
0xbb: {  	v11 =	vld [tilespmem:s16+$0x40];
	v17 =	vpop (erf);
	(erf) = vpow2.f32 v18  }
0xbc: {  	v13 =	vadd.f32 v13, v16;
	v16 =	vld [tilespmem:s18+$0x50];
	v24 =	vadd.f32 $1.000000000e+00, v17  }
0xbd: {  	v18 =	vld [tilespmem:s16+$0x50]  }
0xbe: {  	v23 =	vld [tilespmem:s18+$0xFFFFFF80];
	v12 =	vadd.f32 v12, v19;
	(erf) = vrcp.f32 v24;
	v17 =	vpop (erf)  }
0xbf: {  	v19 =	vld [tilespmem:s11+$0xFFFFFFB0];
	v17 =	vadd.f32 $1.000000000e+00, v17  }
0xc0: {  	v24 =	vld [tilespmem:s11+$0xFFFFFFC0];
	v11 =	vadd.f32 v11, v22  }
0xc1: {  	v22 =	vld [tilespmem:s11+$0xFFFFFFD0];
	(erf) = vrcp.f32 v17  }
0xc2: {  	v17 =	vld [tilespmem:s11+$0xFFFFFFE0];
	v16 =	vadd.f32 v18, v16;
	v18, _, _ =	vpop (xrf2)  }
0xc3: {  	v21 =	vadd.f32 v21, v23;
	v23 =	vld [tilespmem:s11+$0xFFFFFFF0];
	v18 =	vbroadcast v18, $0xF;
	v25 =	vpop (erf)  }
0xc4: {  	v26 =	vld [tilespmem:s11+$0x0];
	v25 =	vadd.f32 $1.000000000e+00, v25;
	v27 =	vpop (erf)  }
0xc5: {  	v19 =	vadd.f32 v19, v21;
	v21 =	vld [tilespmem:s11+$0x10];
	v18 =	vadd.f32 v18, v2  }
0xc6: {  	v14 =	vadd.f32 v24, v14;
	v15 =	vadd.f32 v22, v15;
	v22 =	vld [tilespmem:s11+$0x20];
	(erf) = vrcp.f32 v25  }
0xc7: {  	v19 =	vmax.f32 v19, $0.0e+00;
	v24 =	vld [tilespmem:s18+$0xFFFFFF60];
	v17 =	vadd.f32 v17, v20;
	v18 =	vsub.f32 $0.0e+00, v18;
	v20 =	vpop (erf)  }
0xc8: {  	v14 =	vmax.f32 v14, $0.0e+00;
	v25 =	vld [tilespmem:s16+$0xFFFFFF60];
	v15 =	vmax.f32 v15, $0.0e+00;
	v13 =	vadd.f32 v23, v13  }
0xc9: {  	v23 =	vld [tilespmem:s18+$0xFFFFFF70];
	v17 =	vmax.f32 v17, $0.0e+00;
	v12 =	vadd.f32 v26, v12;
	v18 =	vmul.f32 $1.442695020e+00, v18  }
0xca: {  	v19 =	vmul.f32 v19, v0;
	v26 =	vld [tilespmem:s16+$0xFFFFFF70];
	v13 =	vmax.f32 v13, $0.0e+00;
	v11 =	vadd.f32 v21, v11;
	v21 =	vpop (erf)  }
0xcb: {  	v28 =	vld [tilespmem:s18+$0xFFFFFFA0];
	v12 =	vmax.f32 v12, $0.0e+00;
	v16 =	vadd.f32 v22, v16;
	(erf) = vpow2.f32 v18  }
0xcc: {  	v14 =	vmul.f32 v14, v1;
	v15 =	vmul.f32 v15, v0;
	v18 =	vld [tilespmem:s16+$0xFFFFFFA0];
	v11 =	vmax.f32 v11, $0.0e+00  }
0xcd: {  	v17 =	vmul.f32 v17, v1;
	v13 =	vmul.f32 v13, v0;
	v22 =	vld [tilespmem:s18+$0xFFFFFFB0];
	v16 =	vmax.f32 v16, $0.0e+00  }
0xce: {  	v14 =	vadd.f32 v14, v19;
	v12 =	vmul.f32 v12, v1;
	v11 =	vmul.f32 v11, v0;
	v19 =	vld [tilespmem:s16+$0xFFFFFFB0]  }
0xcf: {  	v27 =	vadd.f32 $1.000000000e+00, v27;
	v15 =	vadd.f32 v17, v15;
	v16 =	vmul.f32 v16, v1;
	v29 =	vld [tilespmem:s18+$0xFFFFFFE0];
	v30 =	vpop (erf)  }
0xd0: {  	v31 =	vadd.f32 v12, v13;
	v12 =	vmul.f32 v20, v5;
	v5 =	vadd.f32 v25, v24;
	v13 =	vld [tilespmem:s16+$0xFFFFFFE0];
	(xrf2) =	vadd.scan.msk.f32 $0xffff, v14  }
0xd1: {  	v17 =	vadd.f32 v16, v11;
	v14 =	vmul.f32 v20, v6;
	v6 =	vadd.f32 v26, v23;
	v24 =	vld [tilespmem:s18+$0xFFFFFFF0]  }
0xd2: {  	v20 =	vmul.f32 v21, v7;
	v7 =	vadd.f32 v18, v28;
	v16 =	vld [tilespmem:s16+$0xFFFFFFF0];
	[tilespmem:s12+$0xFFFFFFB0] =	vst v12;
	(erf) = vrcp.f32 v27  }
0xd3: {  	v18 =	vmul.f32 v30, v9;
	v11 =	vld [tilespmem:s18+$0x20];
	(xrf2) =	vadd.scan.msk.f32 $0xffff, v15;
	v15 =	vmul.f32 v21, v8;
	v8 =	vadd.f32 v19, v22  }
.Ltmp0:
0xd4: {  	v21 =	vmul.f32 v30, v10;
	v12 =	vld [tilespmem:s16+$0x20];
	v19 =	vpop (erf);
	[tilespmem:s12+$0xFFFFFFC0] =	vst v14;
	(pc) =	sbr.rel @p0 .LBB2_3-.Ltmp0, $4  }
0xd5: {  	v9 =	vadd.f32 v13, v29;
	v13 =	vld [tilespmem:s18+$0x30];
	v19 =	vadd.f32 $1.000000000e+00, v19;
	[tilespmem:s12+$0xFFFFFFD0] =	vst v20  }
0xd6: {  	v14 =	vld [tilespmem:s16+$0x30];
	[tilespmem:s12+$0xFFFFFFE0] =	vst v15  }
0xd7: {  	v10 =	vadd.f32 v16, v24;
	v15 =	vld [tilespmem:s18+$0x70];
	(xrf2) =	vadd.scan.msk.f32 $0xffff, v31;
	(erf) = vrcp.f32 v19;
	[tilespmem:s12+$0xFFFFFFF0] =	vst v18  }
0xd8: {  	s18 =	sadd.s32 $0x140, s18;
	v16 =	vld [tilespmem:s16+$0x70];
	[tilespmem:s12+$0x0] =	vst v21  }
0xd9: {  	(xrf2) =	vadd.scan.msk.f32 $0xffff, v17;
	_ =	sdelay $0x2  }
0xda: {  	v42, _, _ =	vpop (xrf2)  }
0xdb: {  	v17 =	vbroadcast v42, $0xF;
	_ =	sdelay $0x1  }
0xdc: {  	v18, _, _ =	vpop (xrf2);
	v17 =	vadd.f32 v17, v2  }
0xdd: {  	v18 =	vbroadcast v18, $0xF  }
0xde: {  	v17 =	vsub.f32 $0.0e+00, v17;
	v19, _, _ =	vpop (xrf2)  }
0xdf: {  	v18 =	vadd.f32 v18, v2;
	v19 =	vbroadcast v19, $0xF  }
0xe0: {  	v17 =	vmul.f32 $1.442695020e+00, v17;
	v20, _, _ =	vpop (xrf2)  }
0xe1: {  	v18 =	vsub.f32 $0.0e+00, v18;
	v19 =	vadd.f32 v19, v2;
	v20 =	vbroadcast v20, $0xF  }
0xe2: {  	(erf) = vpow2.f32 v17  }
0xe3: {  	v18 =	vmul.f32 $1.442695020e+00, v18;
	v43 =	vsub.f32 $0.0e+00, v19;
	v44 =	vadd.f32 v20, v2;
	_ =	sdelay $0x1  }
0xe4: {  	(erf) = vpow2.f32 v18;
	v17 =	vmul.f32 $1.442695020e+00, v43;
	v45 =	vsub.f32 $0.0e+00, v44;
	_ =	sdelay $0x1  }
0xe5: {  	v18 =	vmul.f32 $1.442695020e+00, v45;
	(erf) = vpow2.f32 v17;
	_ =	sdelay $0x1  }
0xe6: {  	(erf) = vpow2.f32 v18  }
0xe7: {  	v46 =	vpop (erf)  }
0xe8: {  	v47 =	vpop (erf)  }
0xe9: {  	v48 =	vpop (erf)  }
0xea: {  	v19 =	vadd.f32 $1.000000000e+00, v48  }
0xeb: {  	v49 =	vpop (erf)  }
0xec: {  	(erf) = vrcp.f32 v19;
	v50 =	vadd.f32 $1.000000000e+00, v49  }
0xed: {  	v51 =	vld [tilespmem:s2+$0x60];
	v21 =	vpop (erf)  }
0xee: {  	v22 =	vld [tilespmem:s14+$0x60];
	(erf) = vrcp.f32 v50;
	v52 =	vadd.f32 $1.000000000e+00, v21  }
0xef: {  	v53 =	vpop (erf)  }
0xf0: {  	(erf) = vrcp.f32 v52;
	v54 =	vadd.f32 $1.000000000e+00, v53;
	_ =	sdelay $0x1  }
0xf1: {  	v3 =	vmul.f32 v46, v3;
	v15 =	vadd.f32 v16, v15;
	(erf) = vrcp.f32 v54  }
0xf2: {  	v4 =	vmul.f32 v46, v4;
	v55 =	vadd.f32 v22, v51  }
0xf3: {  	[tilespmem:s12+$0x10] =	vst v3;
	v3 =	vmul.f32 v47, v15  }
0xf4: {  	s18 =	sadd.s32 $0xA0, s12;
	[tilespmem:s12+$0x20] =	vst v4;
	v56 =	vmul.f32 v47, v55;
	v57 =	vpop (erf)  }
0xf5: {  	[tilespmem:s18+$0x40] =	vst v3;
	v3 =	vmul.f32 v57, v5  }
0xf6: {  	[tilespmem:s18+$0x30] =	vst v56;
	v59 =	vmul.f32 v57, v6;
	v58 =	vpop (erf)  }
0xf7: {  	[tilespmem:s18+$0xFFFFFFB0] =	vst v3;
	v3 =	vmul.f32 v58, v7  }
0xf8: {  	[tilespmem:s18+$0xFFFFFFC0] =	vst v59;
	v4 =	vmul.f32 v58, v8;
	v60 =	vpop (erf)  }
0xf9: {  	v61 =	vadd.f32 v12, v11;
	[tilespmem:s18+$0xFFFFFFD0] =	vst v3;
	v62 =	vmul.f32 v60, v9  }
0xfa: {  	v3 =	vadd.f32 v14, v13;
	[tilespmem:s18+$0xFFFFFFE0] =	vst v4;
	v6 =	vmul.f32 v60, v10;
	v63 =	vpop (erf)  }
0xfb: {  	[tilespmem:s18+$0xFFFFFFF0] =	vst v62;
	v5 =	vmul.f32 v63, v61  }
0xfc: {  	s0 =	sadd.s32 $0x1, s0;
	[tilespmem:s18+$0x0] =	vst v6;
	v3 =	vmul.f32 v63, v3  }
0xfd: {  	p0 =	sne.s32 s0, $0xC8;
	[tilespmem:s18+$0x10] =	vst v5  }
.Ltmp1:
0xfe: {  	[tilespmem:s18+$0x20] =	vst v3;
	(pc) =	sbr.rel @p0 .LBB2_2-.Ltmp1, $4  }
0xff: {  	[spmem:s1] =	stream.indirect.scatter.add.f32 [tilespmem:s30], [sflag:$0x3], $0x20, s22, s24, $0xb8;
	[tilespmem:$0x1E690] =	vst v63  }
0x100: {  	_ =	swait.ge [sflag:s17], $0xFA0  }
0x101: {  	[sflag:s17] =	ssyncset.done $0x0  }
0x102: {  	[sflag:s17] =	ssyncadd.s32 $0xFFFFF060  }
0x103: {  	[bflag:$0x0] =	sbarrier.arrive $0xFFFF  }
0x104: {  	s0 =	rddreg [dreg:$0x6]  }
0x105: {  	s12 =	rddreg [dreg:$0x8]  }
0x106: {  	[hbm:s0], [sflag:s19] =	dma.local [spmem:s12], $0x30D4  }
0x107: {  	_ =	swait.ge [sflag:s17], $0x30D4  }
0x108: {  	s11 =	smov.u32 s19;
	s31 =	sadd.s32 $0x1, s31;
	s19 =	rddreg [dreg:$0x7]  }
0x109: {  	p0 =	sne.s32 s31, s19  }
.Ltmp2:
0x10a: {  	_ = 	snop;
	(pc) =	sbr.rel @p0 .LBB2_1-.Ltmp2, $3  }
0x10b: {  	_ =	sdelay $0x1  }
0x10c: {  	[sflag:s17] =	ssyncset.done $0x0  }
0x10d: {  	[sflag:s17] =	ssyncadd.s32 $0xFFFFCF2C  }
0x10e: {  	_ =	sfence.sel $0x180000  }
0x10f: {  	[bflag:$0x0] =	sbarrier.arrive $0xFFFF  }
0x110: {  	_ =	strace $0x9000004A  }
0x111: {  	s0 =	stileid.u32;
	[bflag:$0x2] =	sbarrier.arrive $0xFFFF  }
0x112: {  	p0 =	sne.s32 s0, $0x0;
	s0 =	rddreg [dreg:$0x3]  }
0x113: {  	s0 =	sadd.s32 @!p0 $0x100000, s0  }
0x114: {  	[sflag:s0] =	ssyncadd.tile.s32 @!p0 $0x1;
	_ =	shalt  }
.Lfunc_end2:
_tile_overlayer_lowered:
.L_overlay_start_2:
0x115: {  	(tag) =	ssettag $0x2  }
0x116: {  	s0 =	rddreg [dreg:$0x0];
	s2 =	stileid.u32  }
0x117: {  	s1 =	rddreg [dreg:$0x1];
	p0 =	sne.s32 s2, $0x0  }
0x118: {  	s3 =	rddreg [dreg:$0x2];
	[bflag:$0x3] =	sbarrier.arrive $0xFFFF;
	s2 =	simm.s32 @!p0 $0x1C03  }
0x119: {  	[timem:s3], [sflag:s2] =	dma.local @!p0 [hbm:s0], s1  }
0x11a: {  	s0 =	simm.s32 @!p0 $0x3  }
0x11b: {  	_ =	swait.ge @!p0 [sflag:s0], s1  }
0x11c: {  	s1 =	ssub.s32 @!p0 $0x0, s1;
	[sflag:s0] =	ssyncset.done @!p0 $0x0  }
0x11d: {  	[sflag:s0] =	ssyncadd.s32 @!p0 s1  }
0x11e: {  	[bflag:$0x3] =	sbarrier.arrive $0xFFFF  }
0x11f: {  	_ =	shalt  }

// kernel: kernel.7.cloned.1.call-start
scs
__scs_entry_jumppad:
0x0: {  	(pc) =	sbr.rel $0x88, $3  }
0x1: {  	(tag) =	ssettag $0x0;
	lr =	simm.s32 $0x1  }
0x2: {  	[smem:$0x3F96] =	sst lr;
	_ =	strace $0xD0000000  }
0x3: {  	_ = 	snop  }
0x4: {  	_ = 	snop  }
0x5: {  	_ = 	snop  }
0x6: {  	_ = 	snop  }
0x7: {  	_ = 	snop  }
__scs_overlays_trampoline_lowered:
0x8: {  	[smem:$0x3FA5] =	sst s0  }
0x9: {  	[smem:$0x3FA6] =	sst s1  }
0xa: {  	[smem:$0x3FA7] =	sst s2  }
0xb: {  	[smem:$0x3FA8] =	sst s3  }
0xc: {  	[smem:$0x3FA9] =	sst s4  }
0xd: {  	[smem:$0x3FAA] =	sst s5  }
0xe: {  	[smem:$0x3FAB] =	sst s6  }
0xf: {  	[smem:$0x3FAC] =	sst s7  }
0x10: {  	[smem:$0x3FAD] =	sst s8  }
0x11: {  	[smem:$0x3FAE] =	sst s9;
	s0 =	simm.s32 @!p0 $0x0  }
0x12: {  	s1 =	sld [smem:$0x3F94];
	s0 =	simm.s32 @p0 $0x1  }
0x13: {  	[smem:$0x3FAF] =	sst s0;
	s0 =	simm.s32 @!p1 $0x0  }
0x14: {  	s2 =	sld [smem:$0x3F93];
	s0 =	simm.s32 @p1 $0x1  }
0x15: {  	[smem:$0x3FB0] =	sst s0;
	s0 =	simm.s32 @!p2 $0x0  }
0x16: {  	s3 =	sld [smem:$0x3FDB];
	s0 =	simm.s32 @p2 $0x1  }
0x17: {  	s4 =	simm.s32 $0x1BF5;
	[smem:$0x3FB2] =	sst s0  }
0x18: {  	s0 =	sld [smem:$0x3F95];
	_ =	swait.ge [sflag:s4], $0x0  }
0x19: {  	s7 =	sld [smem:$0x3F96]  }
0x1a: {  	s8 =	sadd.s32 $0xFFFFE003, lr  }
0x1b: {  	s9 =	sadd.s32 $0xFFFFFEF7, lr;
	s5 =	simm.s32 $0xFFFFFFFF;
	p2 =	slt.u32 s8, $0xFFFFF086  }
0x1c: {  	p1 =	slt.u32 s9, $0xF7A;
	s5 =	simm.s32 @!p2 $0x0  }
0x1d: {  	s5 =	simm.s32 @p1 $0x1;
	p0 =	seq.s32 s7, s2  }
0x1e: {  	s7 =	smul.u32 @!p0 $0xF7A, s2;
	p2 =	seq.s32 @!p0 s5, $0x0  }
0x1f: {  	s9 =	smul.u32 $0xF7A, s1;
	s8 =	simm.s32 @!p0 $0x1BF5;
	p2 =	por !p2, p0  }
0x20: {  	[sflag:s8] =	ssyncset.s32 @!p0 $0xFFFFF086;
	s6 =	sadd.s32 @!p0 s3, s7;
	s7 =	simm.s32 @!p0 $0x108  }
0x21: {  	s3 =	sadd.s32 s3, s9;
	s6 =	sadd.s32 @!p0 $0x88, s6;
	s7 =	simm.s32 @p2 $0x1082  }
0x22: {  	[simem:s7], [sflag:s8] =	dma.local @!p0 [hbm:s6], $0xF7A  }
0x23: {  	s9 =	sor.u32 $0xD0000000, s2;
	s6 =	simm.s32 $0x108;
	_ =	swait.ge @!p0 [sflag:s8], $0x0  }
0x24: {  	s3 =	sadd.s32 $0x88, s3;
	s6 =	simm.s32 @!p1 $0x1082;
	[sflag:s4] =	ssyncset.s32 $0xFFFFF086  }
0x25: {  	[simem:s6], [sflag:s4] =	dma.local [hbm:s3], $0xF7A  }
0x26: {  	[smem:$0x3F96] =	sst s1;
	(tag) =	ssettag s2;
	_ =	strace s9  }
0x27: {  	s1 =	sld [smem:$0x3FA6]  }
0x28: {  	s2 =	sld [smem:$0x3FA7]  }
0x29: {  	s4 =	sld [smem:$0x3FA9]  }
0x2a: {  	p0 =	seq.s32 s5, $0x0;
	s5 =	sld [smem:$0x3FAA]  }
0x2b: {  	s6 =	sld [smem:$0x3FAB]  }
0x2c: {  	s7 =	sld [smem:$0x3FAC]  }
0x2d: {  	s3 =	simm.s32 $0x108;
	s8 =	sld [smem:$0x3FAD]  }
0x2e: {  	s3 =	simm.s32 @!p0 $0x1082;
	s9 =	sld [smem:$0x3FAE]  }
0x2f: {  	lr =	sadd.s32 s0, s3;
	s0 =	sld [smem:$0x3FA5]  }
0x30: {  	s3 =	sld [smem:$0x3FA8]  }
0x31: {  	[smem:$0x3FB1] =	sst s10  }
0x32: {  	s10 =	sld [smem:$0x3FAF];
	_ =	sdelay $0x3  }
0x33: {  	p0 =	seq.s32 s10, $0x1;
	s10 =	sld [smem:$0x3FB1];
	_ =	sdelay $0x3  }
0x34: {  	[smem:$0x3FB1] =	sst s10  }
0x35: {  	s10 =	sld [smem:$0x3FB0];
	_ =	sdelay $0x3  }
0x36: {  	p1 =	seq.s32 s10, $0x1;
	s10 =	sld [smem:$0x3FB1];
	_ =	sdelay $0x3  }
0x37: {  	[smem:$0x3FB1] =	sst s10  }
0x38: {  	s10 =	sld [smem:$0x3FB2]  }
0x39: {  	_ = 	snop;
	(pc) =	sbr.ind lr, $3  }
0x3a: {  	_ = 	snop  }
0x3b: {  	_ = 	snop  }
0x3c: {  	p2 =	seq.s32 s10, $0x1;
	s10 =	sld [smem:$0x3FB1]  }
0x3d: {  	_ =	shalt  }
0x3e: {  	_ =	shalt  }
0x3f: {  	_ =	shalt  }
0x40: {  	_ =	shalt  }
0x41: {  	_ =	shalt  }
0x42: {  	_ =	shalt  }
0x43: {  	_ =	shalt  }
0x44: {  	_ =	shalt  }
0x45: {  	_ =	shalt  }
0x46: {  	_ =	shalt  }
0x47: {  	_ =	shalt  }
0x48: {  	_ =	shalt  }
0x49: {  	_ =	shalt  }
0x4a: {  	_ =	shalt  }
0x4b: {  	_ =	shalt  }
0x4c: {  	_ =	shalt  }
0x4d: {  	_ =	shalt  }
0x4e: {  	_ =	shalt  }
0x4f: {  	_ =	shalt  }
0x50: {  	_ =	shalt  }
0x51: {  	_ =	shalt  }
0x52: {  	_ =	shalt  }
0x53: {  	_ =	shalt  }
0x54: {  	_ =	shalt  }
0x55: {  	_ =	shalt  }
0x56: {  	_ =	shalt  }
0x57: {  	_ =	shalt  }
0x58: {  	_ =	shalt  }
0x59: {  	_ =	shalt  }
0x5a: {  	_ =	shalt  }
0x5b: {  	_ =	shalt  }
0x5c: {  	_ =	shalt  }
0x5d: {  	_ =	shalt  }
0x5e: {  	_ =	shalt  }
0x5f: {  	_ =	shalt  }
0x60: {  	_ =	shalt  }
0x61: {  	_ =	shalt  }
0x62: {  	_ =	shalt  }
0x63: {  	_ =	shalt  }
0x64: {  	_ =	shalt  }
0x65: {  	_ =	shalt  }
0x66: {  	_ =	shalt  }
0x67: {  	_ =	shalt  }
0x68: {  	_ =	shalt  }
0x69: {  	_ =	shalt  }
0x6a: {  	_ =	shalt  }
0x6b: {  	_ =	shalt  }
0x6c: {  	_ =	shalt  }
0x6d: {  	_ =	shalt  }
0x6e: {  	_ =	shalt  }
0x6f: {  	_ =	shalt  }
0x70: {  	_ =	shalt  }
0x71: {  	_ =	shalt  }
0x72: {  	_ =	shalt  }
0x73: {  	_ =	shalt  }
0x74: {  	_ =	shalt  }
0x75: {  	_ =	shalt  }
0x76: {  	_ =	shalt  }
0x77: {  	_ =	shalt  }
0x78: {  	_ =	shalt  }
0x79: {  	_ =	shalt  }
0x7a: {  	_ =	shalt  }
0x7b: {  	_ =	shalt  }
0x7c: {  	_ =	shalt  }
0x7d: {  	_ =	shalt  }
0x7e: {  	_ =	shalt  }
0x7f: {  	_ =	shalt  }
0x80: {  	_ =	shalt  }
0x81: {  	_ =	shalt  }
0x82: {  	_ =	shalt  }
0x83: {  	_ =	shalt  }
0x84: {  	_ =	shalt  }
0x85: {  	_ =	shalt  }
0x86: {  	_ =	shalt  }
0x87: {  	_ =	shalt  }
.Lfunc_end0:
.L_simem_size_0:
called_computation_lowered:
.L_overlay_start_0:
0x88: {  	s2 =	sld [smem:$0x3FD9]  }
0x89: {  	s3 =	sld [smem:$0x3FFE];
	_ =	sdelay $0x1  }
0x8a: {  	s1 =	srdreg.scid  }
0x8b: {  	s0 =	sand.u32 $0x1, s1  }
0x8c: {  	s17 =	sshll.u32 s0, $0xA;
	s2 =	sadd.s32 s3, s2  }
0x8d: {  	s2 =	sadd.s32 s2, s17  }
0x8e: {  	[smem:$0x3FBD] =	sst s2  }
0x8f: {  	_ = 	snop  }
0x90: {  	s2 =	sld [smem:$0x3FD0];
	(tm) =	ssettm $0x1  }
0x91: {  	s18 =	sld [smem:$0x3FFB];
	_ =	sdelay $0x3  }
0x92: {  	_ =	strace s18  }
0x93: {  	s3 =	sld [smem:$0x3FFC];
	_ =	sdelay $0x3  }
0x94: {  	_ =	strace s3  }
0x95: {  	s3 =	sld [smem:$0x3FFD];
	_ =	sdelay $0x3  }
0x96: {  	_ =	strace s3  }
0x97: {  	_ =	strace $0x8FFFFFFF  }
0x98: {  	s19 =	sld [smem:$0x3FDB];
	_ =	sdelay $0x1  }
0x99: {  	s4 =	simm.s32 $_scs_section_size  }
0x9a: {  	s5 =	simm.s32 $_size__tile_overlayer_lowered;
	s6 =	simm.s32 $_tile_overlayer_lowered  }
0x9b: {  	s22 =	simm.s32 $0x1BFF;
	s21 =	sshll.u32 s6, $0x1;
	s3 =	sadd.s32 s4, s19  }
0x9c: {  	s7 =	simm.s32 $0x0;
	s20 =	sshll.u32 s5, $0x1;
	s5 =	sadd.s32 s21, s3  }
0x9d: {  	[timem:s7], [sflag:s22] =	dma.local [hbm:s5], s20  }
0x9e: {  	_ =	swait.ge [sflag:s22], s20  }
0x9f: {  	s4 =	ssub.s32 $0x0, s20;
	[sflag:s22] =	ssyncset.done $0x0  }
0xa0: {  	[sflag:s22] =	ssyncadd.s32 s4;
	_ =	sdelay $0x1  }
0xa1: {  	s23 =	simm.s32 $0x1B8B  }
0xa2: {  	_ =	swait.ge [sflag:s23], $0x1  }
0xa3: {  	[sflag:s23] =	ssyncset.done $0x0  }
0xa4: {  	s25 =	simm.s32 $0x1B8E;
	s24 =	sld [smem:$0x3FFE];
	[sflag:s23] =	ssyncadd.s32 $0xFFFFFFFF  }
0xa5: {  	s26 =	simm.s32 $execute0_lowered;
	[smem:$0x3FD2] =	sst s25  }
0xa6: {  	s5 =	sshll.u32 s26, $0x1;
	_ =	strace $0x80000046;
	[dreg:$0x1] =	wrdreg $0xFFFFFFFF  }
0xa7: {  	s28 =	simm.s32 $_size_execute0_lowered;
	s3 =	sadd.s32 s3, s5;
	[dreg:$0x0] =	wrdreg $0x0  }
0xa8: {  	s5 =	sshll.u32 s28, $0x1;
	[dreg:$0x2] =	wrdreg s3  }
0xa9: {  	[dreg:$0x3] =	wrdreg s5  }
0xaa: {  	[dreg:$0x4] =	wrdreg $0xC0  }
0xab: {  	_ =	task [dreg:s7], $0x5FFFF  }
0xac: {  	[dreg:$0x1] =	wrdreg $0xFFFFFFFF  }
0xad: {  	[dreg:$0x0] =	wrdreg $0x60  }
0xae: {  	[dreg:$0x2] =	wrdreg s24  }
0xaf: {  	[dreg:$0x3] =	wrdreg s2  }
0xb0: {  	[dreg:$0x4] =	wrdreg $0x9  }
0xb1: {  	_ =	task.clear_ibuf [dreg:s7], $0x5FFFF;
	_ =	strace $0x90000046  }
0xb2: {  	s29 =	simm.s32 $0x9;
	_ =	strace $0x80000048  }
0xb3: {  	_ =	swait.ge [sflag:s29], $0x1  }
0xb4: {  	[sflag:s29] =	ssyncadd.s32 $0xFFFFFFFF  }
0xb5: {  	_ =	strace $0x90000048  }
0xb6: {  	_ =	sfence  }
0xb7: {  	s30 =	sld [smem:$0x0];
	_ =	sdelay $0x2  }
0xb8: {  	s31 =	sshll.u32 s1, $0xD;
	s1 =	sshrl.u32 s1, $0x2  }
0xb9: {  	s3 =	sand.u32 $0x4000, s31;
	s1 =	sadd.s32 s1, s30  }
0xba: {  	s0 =	sor.u32 s3, s0;
	s1 =	sshll.u32 s1, $0x11  }
0xbb: {  	s0 =	sor.u32 s1, s0  }
0xbc: {  	s0 =	sadd.s32 $0x8F2B, s0  }
0xbd: {  	[sflag:s0] =	ssyncadd.remote.s32 $0x1  }
0xbe: {  	_ =	sfence.sel $0xFFFF  }
0xbf: {  	[dreg:$0x0] =	wrdreg $0xFFFFFFFF;
	(pc) =	sbr.abs _section_cstart, $3  }
0xc0: {  	[dreg:$0x1] =	wrdreg $0xFFFFFFFF  }
0xc1: {  	_ =	task.clear_ibuf [dreg:s7], $0x2FFFF;
	_ =	strace $0x9FFFFFFF  }
0xc2: {  	(tm) =	ssettm $0x7FFFFFFF  }
0xc3: {  	_ =	shalt  }
tec
execute0_lowered:
.L_overlay_start_1:
0x0: {  	(tag) =	ssettag $0x1  }
0x1: {  	s1 =	srdreg.scid;
	s0 =	stileid.u32  }
0x2: {  	s4 =	rddreg [dreg:$0x0];
	s1 =	sand.u32 $0x1, s1;
	s2 =	sshll.u32 s0, $0x1  }
0x3: {  	s3 =	rddreg [dreg:$0x1];
	s5 =	sor.u32 s1, s2;
	s2 =	simm.s32 $0x0  }
0x4: {  	s14 =	simm.s32 $0x80;
	[smem:$0x7FF] =	sst s2  }
0x5: {  	s15 =	simm.s32 $0x17A0;
	_ =	strace $0x80000047;
	[dreg:$0x5] =	wrdreg s14  }
0x6: {  	s16 =	simm.s32 $0x100;
	[dreg:$0x6] =	wrdreg s15  }
0x7: {  	s17 =	simm.s32 $0x2740;
	[dreg:$0x7] =	wrdreg s16  }
0x8: {  	s18 =	simm.s32 $0x180;
	[dreg:$0x8] =	wrdreg s17  }
0x9: {  	s19 =	simm.s32 $0x36E0;
	s21 =	simm.s32 $0x200;
	[dreg:$0x9] =	wrdreg s18  }
0xa: {  	s6 =	smul.u32 $0x1F40, s5;
	s5 =	sshll.u32 s5, $0x8;
	[dreg:$0xa] =	wrdreg s19  }
0xb: {  	s3 =	sadd.s32 s3, s5;
	[dreg:$0xb] =	wrdreg s21  }
0xc: {  	s6 =	sadd.s32 s6, s4;
	[dreg:$0x3] =	wrdreg s3  }
0xd: {  	s13 =	sadd.s32 $0x35600, s6;
	s20 =	rddreg [dreg:$0x3]  }
0xe: {  	s3 =	simm.s32 $0x2;
	[dreg:$0x4] =	wrdreg s13  }
0xf: {  	[tilespmem:s2], [sflag:$0x2] =	stream.linear.gather [hbm4b:s20+s2], $0x800, $0x38;
	[tilespmem:$0x10200] =	vst v63  }
0x10: {  	_ =	swait.ge [sflag:s3], $0x800  }
0x11: {  	s5 =	simm.s32 $0x7D;
	s7 =	rddreg [dreg:$0x9]  }
0x12: {  	s4 =	sadd.s32 $0x2800, s4;
	s8 =	rddreg [dreg:$0x7];
	[sflag:s3] =	ssyncset.done $0x0  }
0x13: {  	s6 =	simm.s32 $0x800;
	s9 =	rddreg [dreg:$0x5];
	[sflag:s3] =	ssyncadd.s32 $0xFFFFF800  }
0x14: {  	[tilespmem:s6], [sflag:$0x1] =	stream.indirect.gather [hbm4b:s4+s5], $0x20, s2, s5, $0xb8;
	[tilespmem:$0x10200] =	vst v63  }
0x15: {  	s10 =	rddreg [dreg:$0x6]  }
0x16: {  	[tilespmem:s10], [sflag:$0x1] =	stream.indirect.gather [hbm4b:s4+s5], $0x20, s9, s5, $0xb8;
	[tilespmem:$0x10200] =	vst v63  }
0x17: {  	s11 =	rddreg [dreg:$0x8]  }
0x18: {  	[tilespmem:s11], [sflag:$0x1] =	stream.indirect.gather [hbm4b:s4+s5], $0x20, s8, s5, $0xb8;
	[tilespmem:$0x10200] =	vst v63  }
0x19: {  	s22 =	rddreg [dreg:$0xa]  }
0x1a: {  	[tilespmem:s22], [sflag:$0x1] =	stream.indirect.gather [hbm4b:s4+s5], $0x20, s7, s5, $0xb8;
	[tilespmem:$0x10200] =	vst v63  }
0x1b: {  	s24 =	simm.s32 $0x4680;
	s23 =	rddreg [dreg:$0xb]  }
0x1c: {  	[tilespmem:s24], [sflag:$0x1] =	stream.indirect.gather [hbm4b:s4+s5], $0x20, s23, s5, $0xb8;
	[tilespmem:$0x10200] =	vst v63  }
0x1d: {  	s25 =	simm.s32 $0x280;
	s26 =	simm.s32 $0x5620  }
0x1e: {  	[tilespmem:s26], [sflag:$0x1] =	stream.indirect.gather [hbm4b:s4+s5], $0x20, s25, s5, $0xb8;
	[tilespmem:$0x10200] =	vst v63  }
0x1f: {  	s8 =	simm.s32 $0x65C0;
	s7 =	simm.s32 $0x300  }
0x20: {  	[tilespmem:s8], [sflag:$0x1] =	stream.indirect.gather [hbm4b:s4+s5], $0x20, s7, s5, $0xb8;
	[tilespmem:$0x10200] =	vst v63  }
0x21: {  	s12 =	simm.s32 $0x380;
	s13 =	simm.s32 $0x7560  }
0x22: {  	[tilespmem:s13], [sflag:$0x1] =	stream.indirect.gather [hbm4b:s4+s5], $0x20, s12, s5, $0xb8;
	[tilespmem:$0x10200] =	vst v63  }
0x23: {  	s14 =	simm.s32 $0x400;
	s15 =	simm.s32 $0x8500  }
0x24: {  	[tilespmem:s15], [sflag:$0x1] =	stream.indirect.gather [hbm4b:s4+s5], $0x20, s14, s5, $0xb8;
	[tilespmem:$0x10200] =	vst v63  }
0x25: {  	s16 =	simm.s32 $0x480;
	s17 =	simm.s32 $0x94A0  }
0x26: {  	[tilespmem:s17], [sflag:$0x1] =	stream.indirect.gather [hbm4b:s4+s5], $0x20, s16, s5, $0xb8;
	[tilespmem:$0x10200] =	vst v63  }
0x27: {  	s18 =	simm.s32 $0x500;
	s19 =	simm.s32 $0xA440  }
0x28: {  	[tilespmem:s19], [sflag:$0x1] =	stream.indirect.gather [hbm4b:s4+s5], $0x20, s18, s5, $0xb8;
	[tilespmem:$0x10200] =	vst v63  }
0x29: {  	s21 =	simm.s32 $0xB3E0;
	s20 =	simm.s32 $0x580  }
0x2a: {  	[tilespmem:s21], [sflag:$0x1] =	stream.indirect.gather [hbm4b:s4+s5], $0x20, s20, s5, $0xb8;
	[tilespmem:$0x10200] =	vst v63  }
0x2b: {  	s22 =	simm.s32 $0x600;
	s23 =	simm.s32 $0xC380  }
0x2c: {  	[tilespmem:s23], [sflag:$0x1] =	stream.indirect.gather [hbm4b:s4+s5], $0x20, s22, s5, $0xb8;
	[tilespmem:$0x10200] =	vst v63  }
0x2d: {  	s24 =	simm.s32 $0x680;
	s25 =	simm.s32 $0xD320  }
0x2e: {  	[tilespmem:s25], [sflag:$0x1] =	stream.indirect.gather [hbm4b:s4+s5], $0x20, s24, s5, $0xb8;
	[tilespmem:$0x10200] =	vst v63  }
0x2f: {  	s28 =	simm.s32 $0xE2C0;
	s26 =	simm.s32 $0x700  }
0x30: {  	[tilespmem:s28], [sflag:$0x1] =	stream.indirect.gather [hbm4b:s4+s5], $0x20, s26, s5, $0xb8;
	[tilespmem:$0x10200] =	vst v63  }
0x31: {  	s29 =	simm.s32 $0x780;
	s30 =	simm.s32 $0xF260;
	s31 =	simm.s32 $0x1  }
0x32: {  	[tilespmem:s30], [sflag:$0x1] =	stream.indirect.gather [hbm4b:s4+s5], $0x20, s29, s5, $0xb8;
	[tilespmem:$0x10200] =	vst v63  }
0x33: {  	_ =	swait.ge [sflag:s31], $0xFA0  }
0x34: {  	[sflag:s31] =	ssyncset.done $0x0  }
0x35: {  	[sflag:s31] =	ssyncadd.s32 $0xFFFFF060  }
0x36: {  	_ =	swait.ge [sflag:s31], $0xFA0  }
0x37: {  	[sflag:s31] =	ssyncset.done $0x0  }
0x38: {  	[sflag:s31] =	ssyncadd.s32 $0xFFFFF060  }
0x39: {  	_ =	swait.ge [sflag:s31], $0xFA0  }
0x3a: {  	[sflag:s31] =	ssyncset.done $0x0  }
0x3b: {  	[sflag:s31] =	ssyncadd.s32 $0xFFFFF060  }
0x3c: {  	_ =	swait.ge [sflag:s31], $0xFA0  }
0x3d: {  	[sflag:s31] =	ssyncset.done $0x0  }
0x3e: {  	[sflag:s31] =	ssyncadd.s32 $0xFFFFF060  }
0x3f: {  	_ =	swait.ge [sflag:s31], $0xFA0  }
0x40: {  	[sflag:s31] =	ssyncset.done $0x0  }
0x41: {  	[sflag:s31] =	ssyncadd.s32 $0xFFFFF060  }
0x42: {  	_ =	swait.ge [sflag:s31], $0xFA0  }
0x43: {  	[sflag:s31] =	ssyncset.done $0x0  }
0x44: {  	[sflag:s31] =	ssyncadd.s32 $0xFFFFF060  }
0x45: {  	_ =	swait.ge [sflag:s31], $0xFA0  }
0x46: {  	[sflag:s31] =	ssyncset.done $0x0  }
0x47: {  	[sflag:s31] =	ssyncadd.s32 $0xFFFFF060  }
0x48: {  	_ =	swait.ge [sflag:s31], $0xFA0  }
0x49: {  	[sflag:s31] =	ssyncset.done $0x0  }
0x4a: {  	[sflag:s31] =	ssyncadd.s32 $0xFFFFF060  }
0x4b: {  	_ =	swait.ge [sflag:s31], $0xFA0  }
0x4c: {  	[sflag:s31] =	ssyncset.done $0x0  }
0x4d: {  	[sflag:s31] =	ssyncadd.s32 $0xFFFFF060  }
0x4e: {  	_ =	swait.ge [sflag:s31], $0xFA0  }
0x4f: {  	[sflag:s31] =	ssyncset.done $0x0  }
0x50: {  	[sflag:s31] =	ssyncadd.s32 $0xFFFFF060  }
0x51: {  	_ =	swait.ge [sflag:s31], $0xFA0  }
0x52: {  	[sflag:s31] =	ssyncset.done $0x0  }
0x53: {  	[sflag:s31] =	ssyncadd.s32 $0xFFFFF060  }
0x54: {  	_ =	swait.ge [sflag:s31], $0xFA0  }
0x55: {  	[sflag:s31] =	ssyncset.done $0x0  }
0x56: {  	[sflag:s31] =	ssyncadd.s32 $0xFFFFF060  }
0x57: {  	_ =	swait.ge [sflag:s31], $0xFA0  }
0x58: {  	[sflag:s31] =	ssyncset.done $0x0  }
0x59: {  	[sflag:s31] =	ssyncadd.s32 $0xFFFFF060  }
0x5a: {  	s1 =	ssub.s32 $0x2, s1;
	_ =	swait.ge [sflag:s31], $0xFA0  }
0x5b: {  	s10 =	sshrl.u32 s1, $0x1;
	[sflag:s31] =	ssyncset.done $0x0  }
0x5c: {  	s0 =	ssub.s32 s1, s10;
	[sflag:s31] =	ssyncadd.s32 $0xFFFFF060  }
0x5d: {  	s0 =	smax.u32 s0, $0x1;
	_ =	swait.ge [sflag:s31], $0xFA0  }
0x5e: {  	p0 =	sne.s32 s0, $0x1;
	[sflag:s31] =	ssyncset.done $0x0  }
.Ltmp0:
0x5f: {  	[sflag:s31] =	ssyncadd.s32 $0xFFFFF060;
	(pc) =	sbr.rel @!p0 .LBB2_2-.Ltmp0, $4  }
0x60: {  	_ =	swait.ge [sflag:s31], $0xFA0  }
0x61: {  	s11 =	simm.s32 $0x65C0;
	[sflag:s31] =	ssyncset.done $0x0  }
0x62: {  	s1 =	sadd.s32 $0xFFFFFFFF, s0;
	s9 =	rddreg [dreg:$0x4];
	[sflag:s31] =	ssyncadd.s32 $0xFFFFF060  }
0x63: {  	[hbm4b:s9+s2] =	stream.linear.scatter [tilespmem:s6], [sflag:$0x2], $0xFA00, $0x38;
	[tilespmem:$0x10200] =	vst v63  }
.LBB2_1:
0x64: {  	_ =	swait.ge [sflag:s3], $0xFA00  }
0x65: {  	[sflag:s3] =	ssyncset.done $0x0  }
0x66: {  	s0 =	rddreg [dreg:$0x3];
	[sflag:s3] =	ssyncadd.s32 $0xFFFF0600  }
0x67: {  	[tilespmem:s2], [sflag:$0x2] =	stream.linear.gather [hbm4b:s0+s2], $0x800, $0x38;
	[tilespmem:$0x10200] =	vst v63  }
0x68: {  	_ =	swait.ge [sflag:s3], $0x800  }
0x69: {  	s0 =	rddreg [dreg:$0x9]  }
0x6a: {  	[sflag:s3] =	ssyncset.done $0x0;
	s7 =	rddreg [dreg:$0x7]  }
0x6b: {  	s8 =	rddreg [dreg:$0x5];
	[sflag:s3] =	ssyncadd.s32 $0xFFFFF800  }
0x6c: {  	[tilespmem:s6], [sflag:$0x1] =	stream.indirect.gather [hbm4b:s4+s5], $0x20, s2, s5, $0xb8;
	[tilespmem:$0x10200] =	vst v63  }
0x6d: {  	s9 =	rddreg [dreg:$0x6]  }
0x6e: {  	[tilespmem:s9], [sflag:$0x1] =	stream.indirect.gather [hbm4b:s4+s5], $0x20, s8, s5, $0xb8;
	[tilespmem:$0x10200] =	vst v63  }
0x6f: {  	s10 =	rddreg [dreg:$0x8]  }
0x70: {  	[tilespmem:s10], [sflag:$0x1] =	stream.indirect.gather [hbm4b:s4+s5], $0x20, s7, s5, $0xb8;
	[tilespmem:$0x10200] =	vst v63  }
0x71: {  	s8 =	rddreg [dreg:$0xa]  }
0x72: {  	[tilespmem:s8], [sflag:$0x1] =	stream.indirect.gather [hbm4b:s4+s5], $0x20, s0, s5, $0xb8;
	[tilespmem:$0x10200] =	vst v63  }
0x73: {  	s9 =	rddreg [dreg:$0xb];
	s10 =	simm.s32 $0x4680  }
0x74: {  	[tilespmem:s10], [sflag:$0x1] =	stream.indirect.gather [hbm4b:s4+s5], $0x20, s9, s5, $0xb8;
	[tilespmem:$0x10200] =	vst v63  }
0x75: {  	s7 =	simm.s32 $0x280;
	s8 =	simm.s32 $0x5620  }
0x76: {  	[tilespmem:s8], [sflag:$0x1] =	stream.indirect.gather [hbm4b:s4+s5], $0x20, s7, s5, $0xb8;
	[tilespmem:$0x10200] =	vst v63  }
0x77: {  	s9 =	simm.s32 $0x300  }
0x78: {  	[tilespmem:s11], [sflag:$0x1] =	stream.indirect.gather [hbm4b:s4+s5], $0x20, s9, s5, $0xb8;
	[tilespmem:$0x10200] =	vst v63  }
0x79: {  	_ = 	snop  }
0x7a: {  	[tilespmem:s13], [sflag:$0x1] =	stream.indirect.gather [hbm4b:s4+s5], $0x20, s12, s5, $0xb8;
	[tilespmem:$0x10200] =	vst v63  }
0x7b: {  	_ = 	snop  }
0x7c: {  	[tilespmem:s15], [sflag:$0x1] =	stream.indirect.gather [hbm4b:s4+s5], $0x20, s14, s5, $0xb8;
	[tilespmem:$0x10200] =	vst v63  }
0x7d: {  	_ = 	snop  }
0x7e: {  	[tilespmem:s17], [sflag:$0x1] =	stream.indirect.gather [hbm4b:s4+s5], $0x20, s16, s5, $0xb8;
	[tilespmem:$0x10200] =	vst v63  }
0x7f: {  	_ = 	snop  }
0x80: {  	[tilespmem:s19], [sflag:$0x1] =	stream.indirect.gather [hbm4b:s4+s5], $0x20, s18, s5, $0xb8;
	[tilespmem:$0x10200] =	vst v63  }
0x81: {  	_ = 	snop  }
0x82: {  	[tilespmem:s21], [sflag:$0x1] =	stream.indirect.gather [hbm4b:s4+s5], $0x20, s20, s5, $0xb8;
	[tilespmem:$0x10200] =	vst v63  }
0x83: {  	_ = 	snop  }
0x84: {  	[tilespmem:s23], [sflag:$0x1] =	stream.indirect.gather [hbm4b:s4+s5], $0x20, s22, s5, $0xb8;
	[tilespmem:$0x10200] =	vst v63  }
0x85: {  	_ = 	snop  }
0x86: {  	[tilespmem:s25], [sflag:$0x1] =	stream.indirect.gather [hbm4b:s4+s5], $0x20, s24, s5, $0xb8;
	[tilespmem:$0x10200] =	vst v63  }
0x87: {  	_ = 	snop  }
0x88: {  	[tilespmem:s28], [sflag:$0x1] =	stream.indirect.gather [hbm4b:s4+s5], $0x20, s26, s5, $0xb8;
	[tilespmem:$0x10200] =	vst v63  }
0x89: {  	_ = 	snop  }
0x8a: {  	[tilespmem:s30], [sflag:$0x1] =	stream.indirect.gather [hbm4b:s4+s5], $0x20, s29, s5, $0xb8;
	[tilespmem:$0x10200] =	vst v63  }
0x8b: {  	_ =	swait.ge [sflag:s31], $0xFA0  }
0x8c: {  	[sflag:s31] =	ssyncset.done $0x0  }
0x8d: {  	[sflag:s31] =	ssyncadd.s32 $0xFFFFF060  }
0x8e: {  	_ =	swait.ge [sflag:s31], $0xFA0  }
0x8f: {  	[sflag:s31] =	ssyncset.done $0x0  }
0x90: {  	[sflag:s31] =	ssyncadd.s32 $0xFFFFF060  }
0x91: {  	_ =	swait.ge [sflag:s31], $0xFA0  }
0x92: {  	[sflag:s31] =	ssyncset.done $0x0  }
0x93: {  	[sflag:s31] =	ssyncadd.s32 $0xFFFFF060  }
0x94: {  	_ =	swait.ge [sflag:s31], $0xFA0  }
0x95: {  	[sflag:s31] =	ssyncset.done $0x0  }
0x96: {  	[sflag:s31] =	ssyncadd.s32 $0xFFFFF060  }
0x97: {  	_ =	swait.ge [sflag:s31], $0xFA0  }
0x98: {  	[sflag:s31] =	ssyncset.done $0x0  }
0x99: {  	[sflag:s31] =	ssyncadd.s32 $0xFFFFF060  }
0x9a: {  	_ =	swait.ge [sflag:s31], $0xFA0  }
0x9b: {  	[sflag:s31] =	ssyncset.done $0x0  }
0x9c: {  	[sflag:s31] =	ssyncadd.s32 $0xFFFFF060  }
0x9d: {  	_ =	swait.ge [sflag:s31], $0xFA0  }
0x9e: {  	[sflag:s31] =	ssyncset.done $0x0  }
0x9f: {  	[sflag:s31] =	ssyncadd.s32 $0xFFFFF060  }
0xa0: {  	_ =	swait.ge [sflag:s31], $0xFA0  }
0xa1: {  	[sflag:s31] =	ssyncset.done $0x0  }
0xa2: {  	[sflag:s31] =	ssyncadd.s32 $0xFFFFF060  }
0xa3: {  	_ =	swait.ge [sflag:s31], $0xFA0  }
0xa4: {  	[sflag:s31] =	ssyncset.done $0x0  }
0xa5: {  	[sflag:s31] =	ssyncadd.s32 $0xFFFFF060  }
0xa6: {  	_ =	swait.ge [sflag:s31], $0xFA0  }
0xa7: {  	[sflag:s31] =	ssyncset.done $0x0  }
0xa8: {  	[sflag:s31] =	ssyncadd.s32 $0xFFFFF060  }
0xa9: {  	_ =	swait.ge [sflag:s31], $0xFA0  }
0xaa: {  	[sflag:s31] =	ssyncset.done $0x0  }
0xab: {  	[sflag:s31] =	ssyncadd.s32 $0xFFFFF060  }
0xac: {  	_ =	swait.ge [sflag:s31], $0xFA0  }
0xad: {  	[sflag:s31] =	ssyncset.done $0x0  }
0xae: {  	[sflag:s31] =	ssyncadd.s32 $0xFFFFF060  }
0xaf: {  	_ =	swait.ge [sflag:s31], $0xFA0  }
0xb0: {  	[sflag:s31] =	ssyncset.done $0x0  }
0xb1: {  	[sflag:s31] =	ssyncadd.s32 $0xFFFFF060  }
0xb2: {  	_ =	swait.ge [sflag:s31], $0xFA0  }
0xb3: {  	[sflag:s31] =	ssyncset.done $0x0  }
0xb4: {  	[sflag:s31] =	ssyncadd.s32 $0xFFFFF060  }
0xb5: {  	_ =	swait.ge [sflag:s31], $0xFA0  }
0xb6: {  	p0 =	sne.s32 s1, $0x1;
	[sflag:s31] =	ssyncset.done $0x0  }
.Ltmp1:
0xb7: {  	[sflag:s31] =	ssyncadd.s32 $0xFFFFF060;
	(pc) =	sbr.rel @p0 .LBB2_1-.Ltmp1, $4  }
0xb8: {  	_ =	swait.ge [sflag:s31], $0xFA0  }
0xb9: {  	[sflag:s31] =	ssyncset.done $0x0  }
0xba: {  	s1 =	sadd.s32 $0xFFFFFFFF, s1;
	s10 =	rddreg [dreg:$0x4];
	[sflag:s31] =	ssyncadd.s32 $0xFFFFF060  }
0xbb: {  	[hbm4b:s10+s2] =	stream.linear.scatter [tilespmem:s6], [sflag:$0x2], $0xFA00, $0x38;
	[tilespmem:$0x10200] =	vst v63  }
.LBB2_2:
0xbc: {  	_ =	swait.ge [sflag:s3], $0xFA00  }
0xbd: {  	[sflag:s3] =	ssyncset.done $0x0  }
0xbe: {  	[sflag:s3] =	ssyncadd.s32 $0xFFFF0600  }
0xbf: {  	_ =	sfence.sel $0x180000  }
0xc0: {  	[bflag:$0x0] =	sbarrier.arrive $0xFFFF  }
0xc1: {  	_ =	strace $0x90000047  }
0xc2: {  	s0 =	stileid.u32;
	[bflag:$0x2] =	sbarrier.arrive $0xFFFF  }
0xc3: {  	p0 =	sne.s32 s0, $0x0;
	s0 =	rddreg [dreg:$0x2]  }
0xc4: {  	s0 =	sadd.s32 @!p0 $0x100000, s0  }
0xc5: {  	[sflag:s0] =	ssyncadd.tile.s32 @!p0 $0x1;
	_ =	shalt  }
.Lfunc_end2:
_tile_overlayer_lowered:
.L_overlay_start_2:
0xc6: {  	(tag) =	ssettag $0x2  }
0xc7: {  	s0 =	rddreg [dreg:$0x0];
	s2 =	stileid.u32  }
0xc8: {  	s1 =	rddreg [dreg:$0x1];
	p0 =	sne.s32 s2, $0x0  }
0xc9: {  	s3 =	rddreg [dreg:$0x2];
	[bflag:$0x3] =	sbarrier.arrive $0xFFFF;
	s2 =	simm.s32 @!p0 $0x1C02  }
0xca: {  	[timem:s3], [sflag:s2] =	dma.local @!p0 [hbm:s0], s1  }
0xcb: {  	s0 =	simm.s32 @!p0 $0x2  }
0xcc: {  	_ =	swait.ge @!p0 [sflag:s0], s1  }
0xcd: {  	s1 =	ssub.s32 @!p0 $0x0, s1;
	[sflag:s0] =	ssyncset.done @!p0 $0x0  }
0xce: {  	[sflag:s0] =	ssyncadd.s32 @!p0 s1  }
0xcf: {  	[bflag:$0x3] =	sbarrier.arrive $0xFFFF  }
0xd0: {  	_ =	shalt  }

</sc_bundles>
